<compile_context>
chip_gen: v7x
topology: tpu7x:2x2x1
jax: 0.10.2.dev20260603
libtpu: 0.0.44.dev20260713+nightly
codegen_flags: <defaults>
</compile_context>

<pallas_src>
import functools

import jax
import jax.numpy as jnp
from jax import lax
from jax.experimental import pallas as pl
from jax.experimental.pallas import tpu as pltpu
from jax.experimental.pallas import tpu_sc as plsc

T = 2048
DIM = 1024
INTER = 512
E = 64
K = 2
TK = T * K
TILE = 128
NT = 96
NP = NT * TILE

SC_CORES = 2
SC_SUBCORES = 16
NW = SC_CORES * SC_SUBCORES



def _router_body(x_ref, gwt_ref, eid_ref, g_ref, rank_ref, cnt_ref, counts):
    i = pl.program_id(0)

    @pl.when(i == 0)
    def _():
        counts[...] = jnp.zeros_like(counts)

    xb = x_ref[...]
    logits = jnp.dot(xb, gwt_ref[...], preferred_element_type=jnp.float32)
    scores = jax.nn.sigmoid(logits)
    cols = lax.broadcasted_iota(jnp.int32, scores.shape, 1)
    m1 = jnp.max(scores, axis=1)
    a1 = jnp.argmax(scores, axis=1).astype(jnp.int32)
    masked = jnp.where(cols == a1[:, None], -jnp.inf, scores)
    m2 = jnp.max(masked, axis=1)
    a2 = jnp.argmax(masked, axis=1).astype(jnp.int32)
    s = jnp.maximum(m1 + m2, 1e-12)
    eid_ref[...] = jnp.concatenate([a1[:, None], a2[:, None]], axis=1)
    g_ref[...] = jnp.concatenate([(m1 / s)[:, None], (m2 / s)[:, None]], axis=1)
    bt = xb.shape[0]
    oh = jnp.concatenate([(cols == a1[:, None]).astype(jnp.int32),
                          (cols == a2[:, None]).astype(jnp.int32)], axis=0)
    csum = oh
    sh = 1
    while sh < 2 * bt:
        z = jnp.zeros((sh, E), jnp.int32)
        csum = csum + jnp.concatenate([z, csum[:-sh]], axis=0)
        sh *= 2
    rank_blk = csum - 1 + counts[...]
    r1 = jnp.sum(oh[:bt] * rank_blk[:bt], axis=1)
    r2 = jnp.sum(oh[bt:] * rank_blk[bt:], axis=1)
    rank_ref[...] = jnp.concatenate([r1[:, None], r2[:, None]], axis=1)
    counts[...] = counts[...] + csum[2 * bt - 1 : 2 * bt]
    cnt_ref[...] = counts[...]


def _router(x, gwt):
    bt = 512
    grid = (T // bt,)
    return pl.pallas_call(
        _router_body,
        grid=grid,
        in_specs=[
            pl.BlockSpec((bt, DIM), lambda i: (i, 0)),
            pl.BlockSpec((DIM, E), lambda i: (0, 0)),
        ],
        out_specs=[
            pl.BlockSpec((bt, K), lambda i: (i, 0)),
            pl.BlockSpec((bt, K), lambda i: (i, 0)),
            pl.BlockSpec((bt, K), lambda i: (i, 0)),
            pl.BlockSpec((1, E), lambda i: (0, 0)),
        ],
        out_shape=[
            jax.ShapeDtypeStruct((T, K), jnp.int32),
            jax.ShapeDtypeStruct((T, K), jnp.float32),
            jax.ShapeDtypeStruct((T, K), jnp.int32),
            jax.ShapeDtypeStruct((1, E), jnp.int32),
        ],
        scratch_shapes=[pltpu.VMEM((1, E), jnp.int32)],
    )(x, gwt)


def _shared_body(x_ref, s1_ref, s3_ref, s2_ref, sh_ref):
    xb = x_ref[...]
    h = jax.nn.silu(jnp.dot(xb, s1_ref[...], preferred_element_type=jnp.float32))
    h = h * jnp.dot(xb, s3_ref[...], preferred_element_type=jnp.float32)
    sh_ref[...] = jnp.dot(h, s2_ref[...], preferred_element_type=jnp.float32)


def _shared(x, s1, s3, s2):
    bt = 256
    grid = (T // bt,)
    return pl.pallas_call(
        _shared_body,
        grid=grid,
        in_specs=[
            pl.BlockSpec((bt, DIM), lambda i: (i, 0)),
            pl.BlockSpec((DIM, DIM), lambda i: (0, 0)),
            pl.BlockSpec((DIM, DIM), lambda i: (0, 0)),
            pl.BlockSpec((DIM, DIM), lambda i: (0, 0)),
        ],
        out_specs=pl.BlockSpec((bt, DIM), lambda i: (i, 0)),
        out_shape=jax.ShapeDtypeStruct((T, DIM), jnp.float32),
    )(x, s1, s3, s2)



def _gemm_body(texp_ref, act_ref, gtok_ref, tlen_ref, oidx_ref, x_any,
               w1_ref, w3_ref, w2_ref, gw_ref, ys_ref, rows, sems):
    j = pl.program_id(0)

    def issue(tj):
        slot = lax.rem(tj, 2)
        base = tj * TILE

        def cp(i, c):
            tok = jnp.clip(gtok_ref[base + i], 0, T - 1)
            pltpu.make_async_copy(
                x_any.at[pl.ds(tok, 1), :],
                rows.at[slot, pl.ds(i, 1), :],
                sems.at[slot],
            ).start()
            return c

        lax.fori_loop(0, tlen_ref[tj], cp, 0)

    @pl.when(j == 0)
    def _():
        issue(0)

    @pl.when(j + 1 < NT)
    def _():
        issue(jnp.minimum(j + 1, NT - 1))

    @pl.when(act_ref[j] != 0)
    def _():
        slot = lax.rem(j, 2)

        def drain(i, c):
            pltpu.make_async_copy(
                x_any.at[pl.ds(0, 8), :], rows.at[slot, pl.ds(0, 8), :],
                sems.at[slot],
            ).wait()
            return c

        lax.fori_loop(0, tlen_ref[j] // 8, drain, 0)
        xb = rows[slot]
        h = jax.nn.silu(jnp.dot(xb, w1_ref[0], preferred_element_type=jnp.float32))
        h = h * jnp.dot(xb, w3_ref[0], preferred_element_type=jnp.float32)
        y = jnp.dot(h, w2_ref[0], preferred_element_type=jnp.float32)
        ys_ref[...] = y * gw_ref[0, 0][:, None]


def _grouped_gemm(texp, act, gtok, tlen, oidx, x, W1, W3, W2, gw3):
    grid_spec = pltpu.PrefetchScalarGridSpec(
        num_scalar_prefetch=5,
        grid=(NT,),
        in_specs=[
            pl.BlockSpec(memory_space=pl.ANY),
            pl.BlockSpec((1, DIM, INTER), lambda j, texp, act, gtok, tlen, oidx: (texp[j], 0, 0)),
            pl.BlockSpec((1, DIM, INTER), lambda j, texp, act, gtok, tlen, oidx: (texp[j], 0, 0)),
            pl.BlockSpec((1, INTER, DIM), lambda j, texp, act, gtok, tlen, oidx: (texp[j], 0, 0)),
            pl.BlockSpec((1, 1, TILE), lambda j, texp, act, gtok, tlen, oidx: (j, 0, 0)),
        ],
        out_specs=pl.BlockSpec((TILE, DIM), lambda j, texp, act, gtok, tlen, oidx: (oidx[j], 0)),
        scratch_shapes=[
            pltpu.VMEM((2, TILE, DIM), jnp.float32),
            pltpu.SemaphoreType.DMA((2,)),
        ],
    )
    return pl.pallas_call(
        _gemm_body,
        grid_spec=grid_spec,
        out_shape=jax.ShapeDtypeStruct((NP, DIM), jnp.float32),
    )(texp, act, gtok, tlen, oidx, x, W1, W3, W2, gw3)



def _sc_scatter(pos, tokv, wv):
    ppw = TK // NW
    mesh = plsc.VectorSubcoreMesh(core_axis_name="c", subcore_axis_name="s")

    @functools.partial(
        pl.kernel,
        mesh=mesh,
        out_type=[
            jax.ShapeDtypeStruct((NP,), jnp.int32),
            jax.ShapeDtypeStruct((NP,), jnp.float32),
        ],
        scratch_types=[
            pltpu.VMEM((ppw,), jnp.int32),
            pltpu.VMEM((ppw,), jnp.int32),
            pltpu.VMEM((ppw,), jnp.float32),
            pltpu.SemaphoreType.DMA,
            pltpu.SemaphoreType.DMA,
        ],
    )
    def k(pos_hbm, tok_hbm, wv_hbm, gtok_hbm, gwf_hbm, idx_v, tv, wvv, s1, s2):
        wid = lax.axis_index("s") * SC_CORES + lax.axis_index("c")
        base = pl.multiple_of(wid * ppw, ppw)
        pltpu.sync_copy(pos_hbm.at[pl.ds(base, ppw)], idx_v)
        pltpu.sync_copy(tok_hbm.at[pl.ds(base, ppw)], tv)
        pltpu.sync_copy(wv_hbm.at[pl.ds(base, ppw)], wvv)
        h1 = pltpu.async_copy(tv, gtok_hbm.at[idx_v], s1)
        h2 = pltpu.async_copy(wvv, gwf_hbm.at[idx_v], s2)
        h1.wait()
        h2.wait()

    return k(pos, tokv, wv)



def _sc_combine(ys, sh, pp0, pp1):
    tok_pw = T // NW
    ch = 32
    mesh = plsc.VectorSubcoreMesh(core_axis_name="c", subcore_axis_name="s")

    @functools.partial(
        pl.kernel,
        mesh=mesh,
        out_type=jax.ShapeDtypeStruct((T, DIM), jnp.float32),
        scratch_types=[
            pltpu.VMEM((ch,), jnp.int32),
            pltpu.VMEM((ch,), jnp.int32),
            pltpu.VMEM((ch, DIM), jnp.float32),
            pltpu.VMEM((ch, DIM), jnp.float32),
            pltpu.VMEM((ch, DIM), jnp.float32),
            pltpu.SemaphoreType.DMA,
        ],
    )
    def k(ys_hbm, sh_hbm, pp0_hbm, pp1_hbm, out_hbm, i0v, i1v, b0, b1, bs,
          sem):
        wid = lax.axis_index("s") * SC_CORES + lax.axis_index("c")
        base = wid * tok_pw

        def chunk(c, carry):
            off = pl.multiple_of(base + c * ch, ch)
            pltpu.sync_copy(pp0_hbm.at[pl.ds(off, ch)], i0v)
            pltpu.sync_copy(pp1_hbm.at[pl.ds(off, ch)], i1v)
            pltpu.async_copy(ys_hbm.at[i0v], b0, sem).wait()
            pltpu.async_copy(ys_hbm.at[i1v], b1, sem).wait()
            pltpu.sync_copy(sh_hbm.at[pl.ds(off, ch)], bs)

            def row(r, rc):
                def col(cc, cc2):
                    sl = pl.ds(pl.multiple_of(cc * 16, 16), 16)
                    b0[r, sl] = b0[r, sl] + b1[r, sl] + bs[r, sl]
                    return cc2
                lax.fori_loop(0, DIM // 16, col, 0)
                return rc

            lax.fori_loop(0, ch, row, 0)
            pltpu.sync_copy(b0, out_hbm.at[pl.ds(off, ch)])
            return carry

        lax.fori_loop(0, tok_pw // ch, chunk, 0)

    return k(ys, sh, pp0, pp1)



def _routing_metadata(eid, g, rank2, cnt):
    ef = eid.reshape(-1)
    gf = g.reshape(-1)
    rank = rank2.reshape(-1)
    counts = cnt[0]
    tiles_e = (counts + TILE - 1) // TILE
    cum_tiles = jnp.cumsum(tiles_e)
    total_tiles = cum_tiles[E - 1]
    padded_off = (cum_tiles - tiles_e) * TILE
    pos = padded_off[ef] + rank
    gtok, gwf = _sc_scatter(pos, jnp.arange(TK, dtype=jnp.int32) // K, gf)
    tj = jnp.arange(NT, dtype=jnp.int32)
    tjc = jnp.minimum(tj, total_tiles - 1)
    texp = jnp.sum((cum_tiles[None, :] <= tjc[:, None]).astype(jnp.int32),
                   axis=1)
    act = (tj < total_tiles).astype(jnp.int32)
    first_tile = (cum_tiles - tiles_e)[texp]
    tlen = jnp.clip(counts[texp] - (tjc - first_tile) * TILE, 0, TILE) * act
    tlen = jnp.minimum(((tlen + 7) // 8) * 8, TILE)
    oidx = jnp.where(act == 1, tj, total_tiles - 1)
    pp0 = pos[0::2]
    pp1 = pos[1::2]
    gw3 = gwf.reshape(NT, 1, TILE)
    return gtok, gw3, texp, act, tlen, oidx, pp0, pp1


def kernel(x, gate_w, W1, W3, W2, sw1, sw3, sw2):
    gwt = gate_w.T
    s1 = sw1.T
    s3 = sw3.T
    s2 = sw2.T
    eid, g, rank2, cnt = _router(x, gwt)
    gtok, gw3, texp, act, tlen, oidx, pp0, pp1 = _routing_metadata(
        eid, g, rank2, cnt)
    sh = _shared(x, s1, s3, s2)
    ys = _grouped_gemm(texp, act, gtok, tlen, oidx, x, W1, W3, W2, gw3)
    return _sc_combine(ys, sh, pp0, pp1)

# --- scband reference (transcript-rebuilt; emitter-appended) ---
"""Pipeline reference for scband-mo-e-42614665511161 (READ-ONLY COPY).

The authoritative reference and input builder live on the scoring server;
editing this copy changes nothing except your own understanding.
"""

import jax, jax.numpy as jnp
import numpy as np

T = 2048      # tokens (batch=1, seq_len=2048)
DIM = 1024    # d_model
INTER = 512   # moe_inter_dim
E = 64        # n_routed_experts
K = 2         # n_activated_experts (top_k)
N_SHARED = 2  # n_shared_experts


def setup_inputs(seed: int = 0) -> dict:
    key = jax.random.key(seed)
    ks = jax.random.split(key, 9)
    x = jax.random.normal(ks[0], (T, DIM), dtype=jnp.float32)
    gate_w = jax.random.normal(ks[1], (E, DIM), dtype=jnp.float32) * 0.02
    W1 = jax.random.normal(ks[2], (E, DIM, INTER), dtype=jnp.float32) * 0.02
    W3 = jax.random.normal(ks[3], (E, DIM, INTER), dtype=jnp.float32) * 0.02
    W2 = jax.random.normal(ks[4], (E, INTER, DIM), dtype=jnp.float32) * 0.02
    sw1 = jax.random.normal(ks[5], (N_SHARED * INTER, DIM), dtype=jnp.float32) * 0.02
    sw3 = jax.random.normal(ks[6], (N_SHARED * INTER, DIM), dtype=jnp.float32) * 0.02
    sw2 = jax.random.normal(ks[7], (DIM, N_SHARED * INTER), dtype=jnp.float32) * 0.02
    return {"x": x, "gate_w": gate_w, "W1": W1, "W3": W3, "W2": W2,
            "sw1": sw1, "sw3": sw3, "sw2": sw2}


def reference(x, gate_w, W1, W3, W2, sw1, sw3, sw2):
    # ---- Router ----
    logits = (x @ gate_w.T).astype(jnp.float32)
    scores = jax.nn.sigmoid(logits)
    # bias buffer is zeros -> selection uses raw scores
    _, eid = jax.lax.top_k(scores, K)                       # [T, K] int
    g = jnp.take_along_axis(scores, eid, axis=1)            # [T, K]
    g = g / jnp.clip(jnp.sum(g, axis=-1, keepdims=True), 1e-12)
    g = g.astype(x.dtype)

    # ---- Expert dispatch (dense masked per-expert GEMM -> weighted combine) ----
    out = jnp.zeros((T, DIM), dtype=x.dtype)
    n_experts = W1.shape[0]
    for e in range(n_experts):
        w_e = jnp.sum(jnp.where(eid == e, g, jnp.zeros_like(g)), axis=1)  # [T]
        h = jax.nn.silu(x @ W1[e]) * (x @ W3[e])
        y = h @ W2[e]
        out = out + w_e[:, None] * y

    # ---- Shared expert MLP ----
    shared = (jax.nn.silu(x @ sw1.T) * (x @ sw3.T)) @ sw2.T
    return out + shared

if __name__ == "__main__":
    import jax
    _d = setup_inputs()
    print(jax.jit(kernel)(*tuple(_d.values())))

</pallas_src>

<mosaic_0001>
#map = affine_map<(d0, d1) -> (0)>
module attributes {stable_mosaic.version = 14 : i64} {
  func.func @k(%arg0: i32, %arg1: i32, %arg2: memref<4096xi32, #tpu.memory_space<hbm>>, %arg3: memref<4096xi32, #tpu.memory_space<hbm>>, %arg4: memref<4096xf32, #tpu.memory_space<hbm>>, %arg5: memref<12288xi32, #tpu.memory_space<hbm>>, %arg6: memref<12288xf32, #tpu.memory_space<hbm>>, %arg7: memref<128xi32, #tpu.memory_space<vmem>>, %arg8: memref<128xi32, #tpu.memory_space<vmem>>, %arg9: memref<128xf32, #tpu.memory_space<vmem>>, %arg10: memref<!tpu.dma_semaphore, #tpu.memory_space<semaphore_mem>>, %arg11: memref<!tpu.dma_semaphore, #tpu.memory_space<semaphore_mem>>) attributes {dimension_semantics = [#tpu.dimension_semantics<core_parallel>, #tpu.dimension_semantics<subcore_parallel>], iteration_bounds = array<i64: 2, 16>, scalar_prefetch = 0 : i64, scratch_operands = 5 : i64, tpu.core_type = #tpu.core_type<sc_vector_subcore>, window_params = [{transform_indices = #map}, {transform_indices = #map}, {transform_indices = #map}, {transform_indices = #map}, {transform_indices = #map}]} {
    %mul3A = arith.constant 2 : i32
    %mul3A_0 = arith.muli %arg1, %mul3A : i32
    %add3A = arith.addi %mul3A_0, %arg0 : i32
    %mul3A_1 = arith.constant 128 : i32
    %mul3A_2 = arith.muli %add3A, %mul3A_1 : i32
    %multiple_of3A = tpu.assume_multiple %mul3A_2, 128 : i32
    "tpu.region"() ({
      %run_scoped3A = tpu.sem_alloc : memref<!tpu.dma_semaphore, #tpu.memory_space<semaphore_mem>>
      %dma_start3A_9 = tpu.memref_slice %arg2[%multiple_of3A] : memref<4096xi32, #tpu.memory_space<hbm>> -> memref<128xi32, #tpu.memory_space<hbm>>
      %dma_start3A_10 = tpu.memref_slice %arg2[%multiple_of3A] : memref<4096xi32, #tpu.memory_space<hbm>> -> memref<128xi32, #tpu.memory_space<hbm>>
      tpu.enqueue_dma source(%dma_start3A_10 : memref<128xi32, #tpu.memory_space<hbm>>) target(%arg7 : memref<128xi32, #tpu.memory_space<vmem>>) target_semaphore(%run_scoped3A : memref<!tpu.dma_semaphore, #tpu.memory_space<semaphore_mem>>)
      %dma_wait3A_11 = tpu.memref_slice %arg2[%multiple_of3A] : memref<4096xi32, #tpu.memory_space<hbm>> -> memref<128xi32, #tpu.memory_space<hbm>>
      %dma_wait3A_12 = tpu.memref_slice %arg2[%multiple_of3A] : memref<4096xi32, #tpu.memory_space<hbm>> -> memref<128xi32, #tpu.memory_space<hbm>>
      tpu.wait_dma2 semaphore(%run_scoped3A : memref<!tpu.dma_semaphore, #tpu.memory_space<semaphore_mem>>) src(%dma_wait3A_12 : memref<128xi32, #tpu.memory_space<hbm>>) dst(%arg7 : memref<128xi32, #tpu.memory_space<vmem>>)
      tpu.yield
    }) : () -> ()
    "tpu.region"() ({
      %run_scoped3A = tpu.sem_alloc : memref<!tpu.dma_semaphore, #tpu.memory_space<semaphore_mem>>
      %dma_start3A_9 = tpu.memref_slice %arg3[%multiple_of3A] : memref<4096xi32, #tpu.memory_space<hbm>> -> memref<128xi32, #tpu.memory_space<hbm>>
      %dma_start3A_10 = tpu.memref_slice %arg3[%multiple_of3A] : memref<4096xi32, #tpu.memory_space<hbm>> -> memref<128xi32, #tpu.memory_space<hbm>>
      tpu.enqueue_dma source(%dma_start3A_10 : memref<128xi32, #tpu.memory_space<hbm>>) target(%arg8 : memref<128xi32, #tpu.memory_space<vmem>>) target_semaphore(%run_scoped3A : memref<!tpu.dma_semaphore, #tpu.memory_space<semaphore_mem>>)
      %dma_wait3A_11 = tpu.memref_slice %arg3[%multiple_of3A] : memref<4096xi32, #tpu.memory_space<hbm>> -> memref<128xi32, #tpu.memory_space<hbm>>
      %dma_wait3A_12 = tpu.memref_slice %arg3[%multiple_of3A] : memref<4096xi32, #tpu.memory_space<hbm>> -> memref<128xi32, #tpu.memory_space<hbm>>
      tpu.wait_dma2 semaphore(%run_scoped3A : memref<!tpu.dma_semaphore, #tpu.memory_space<semaphore_mem>>) src(%dma_wait3A_12 : memref<128xi32, #tpu.memory_space<hbm>>) dst(%arg8 : memref<128xi32, #tpu.memory_space<vmem>>)
      tpu.yield
    }) : () -> ()
    "tpu.region"() ({
      %run_scoped3A = tpu.sem_alloc : memref<!tpu.dma_semaphore, #tpu.memory_space<semaphore_mem>>
      %dma_start3A_9 = tpu.memref_slice %arg4[%multiple_of3A] : memref<4096xf32, #tpu.memory_space<hbm>> -> memref<128xf32, #tpu.memory_space<hbm>>
      %dma_start3A_10 = tpu.memref_slice %arg4[%multiple_of3A] : memref<4096xf32, #tpu.memory_space<hbm>> -> memref<128xf32, #tpu.memory_space<hbm>>
      tpu.enqueue_dma source(%dma_start3A_10 : memref<128xf32, #tpu.memory_space<hbm>>) target(%arg9 : memref<128xf32, #tpu.memory_space<vmem>>) target_semaphore(%run_scoped3A : memref<!tpu.dma_semaphore, #tpu.memory_space<semaphore_mem>>)
      %dma_wait3A_11 = tpu.memref_slice %arg4[%multiple_of3A] : memref<4096xf32, #tpu.memory_space<hbm>> -> memref<128xf32, #tpu.memory_space<hbm>>
      %dma_wait3A_12 = tpu.memref_slice %arg4[%multiple_of3A] : memref<4096xf32, #tpu.memory_space<hbm>> -> memref<128xf32, #tpu.memory_space<hbm>>
      tpu.wait_dma2 semaphore(%run_scoped3A : memref<!tpu.dma_semaphore, #tpu.memory_space<semaphore_mem>>) src(%dma_wait3A_12 : memref<128xf32, #tpu.memory_space<hbm>>) dst(%arg9 : memref<128xf32, #tpu.memory_space<vmem>>)
      tpu.yield
    }) : () -> ()
    %dma_start3A = arith.constant 0 : i32
    %dma_start3A_3 = tpu.memref_slice %arg5[%dma_start3A] : memref<12288xi32, #tpu.memory_space<hbm>> -> memref<12288xi32, #tpu.memory_space<hbm>>
    tpu.enqueue_indirect_dma source(%arg8 : memref<128xi32, #tpu.memory_space<vmem>>) target(%dma_start3A_3 : memref<12288xi32, #tpu.memory_space<hbm>>) offsets(%arg7 : memref<128xi32, #tpu.memory_space<vmem>>) semaphore(%arg10 : memref<!tpu.dma_semaphore, #tpu.memory_space<semaphore_mem>>)
    %dma_start3A_4 = arith.constant 0 : i32
    %dma_start3A_5 = tpu.memref_slice %arg6[%dma_start3A_4] : memref<12288xf32, #tpu.memory_space<hbm>> -> memref<12288xf32, #tpu.memory_space<hbm>>
    tpu.enqueue_indirect_dma source(%arg9 : memref<128xf32, #tpu.memory_space<vmem>>) target(%dma_start3A_5 : memref<12288xf32, #tpu.memory_space<hbm>>) offsets(%arg7 : memref<128xi32, #tpu.memory_space<vmem>>) semaphore(%arg11 : memref<!tpu.dma_semaphore, #tpu.memory_space<semaphore_mem>>)
    %dma_wait3A = arith.constant 0 : i32
    %dma_wait3A_6 = tpu.memref_slice %arg5[%dma_wait3A] : memref<12288xi32, #tpu.memory_space<hbm>> -> memref<12288xi32, #tpu.memory_space<hbm>>
    tpu.wait_indirect_dma semaphore(%arg10 : memref<!tpu.dma_semaphore, #tpu.memory_space<semaphore_mem>>) src(%arg8 : memref<128xi32, #tpu.memory_space<vmem>>) dst(%dma_wait3A_6 : memref<12288xi32, #tpu.memory_space<hbm>>)
    %dma_wait3A_7 = arith.constant 0 : i32
    %dma_wait3A_8 = tpu.memref_slice %arg6[%dma_wait3A_7] : memref<12288xf32, #tpu.memory_space<hbm>> -> memref<12288xf32, #tpu.memory_space<hbm>>
    tpu.wait_indirect_dma semaphore(%arg11 : memref<!tpu.dma_semaphore, #tpu.memory_space<semaphore_mem>>) src(%arg9 : memref<128xf32, #tpu.memory_space<vmem>>) dst(%dma_wait3A_8 : memref<12288xf32, #tpu.memory_space<hbm>>)
    return
  }
}

#map = affine_map<(d0, d1) -> (0, 0)>
#map1 = affine_map<(d0, d1) -> (0)>
module attributes {stable_mosaic.version = 14 : i64} {
  func.func @k(%arg0: i32, %arg1: i32, %arg2: memref<12288x1024xf32, #tpu.memory_space<hbm>>, %arg3: memref<2048x1024xf32, #tpu.memory_space<hbm>>, %arg4: memref<2048xi32, #tpu.memory_space<hbm>>, %arg5: memref<2048xi32, #tpu.memory_space<hbm>>, %arg6: memref<2048x1024xf32, #tpu.memory_space<hbm>>, %arg7: memref<32xi32, #tpu.memory_space<vmem>>, %arg8: memref<32xi32, #tpu.memory_space<vmem>>, %arg9: memref<32x1024xf32, #tpu.memory_space<vmem>>, %arg10: memref<32x1024xf32, #tpu.memory_space<vmem>>, %arg11: memref<32x1024xf32, #tpu.memory_space<vmem>>, %arg12: memref<!tpu.dma_semaphore, #tpu.memory_space<semaphore_mem>>) attributes {dimension_semantics = [#tpu.dimension_semantics<core_parallel>, #tpu.dimension_semantics<subcore_parallel>], iteration_bounds = array<i64: 2, 16>, scalar_prefetch = 0 : i64, scratch_operands = 6 : i64, tpu.core_type = #tpu.core_type<sc_vector_subcore>, window_params = [{transform_indices = #map}, {transform_indices = #map}, {transform_indices = #map1}, {transform_indices = #map1}, {transform_indices = #map}]} {
    %mul3A = arith.constant 2 : i32
    %mul3A_0 = arith.muli %arg1, %mul3A : i32
    %add3A = arith.addi %mul3A_0, %arg0 : i32
    %mul3A_1 = arith.constant 64 : i32
    %mul3A_2 = arith.muli %add3A, %mul3A_1 : i32
    %scan3A = arith.constant 0 : i32
    %scan3A_3 = arith.constant 0 : i32
    %scan3A_4 = arith.constant 2 : i32
    %scan3A_5 = arith.addi %scan3A_3, %scan3A_4 : i32
    %scan3A_6 = arith.constant 1 : i32
    scf.for %scan3A_8 = %scan3A_3 to %scan3A_5 step %scan3A_6  : i32 {
      %mul3A_9 = arith.constant 32 : i32
      %mul3A_10 = arith.muli %scan3A_8, %mul3A_9 : i32
      %add3A_11 = arith.addi %mul3A_2, %mul3A_10 : i32
      %multiple_of3A = tpu.assume_multiple %add3A_11, 32 : i32
      "tpu.region"() ({
        %run_scoped3A = tpu.sem_alloc : memref<!tpu.dma_semaphore, #tpu.memory_space<semaphore_mem>>
        %dma_start3A_28 = tpu.memref_slice %arg4[%multiple_of3A] : memref<2048xi32, #tpu.memory_space<hbm>> -> memref<32xi32, #tpu.memory_space<hbm>>
        %dma_start3A_29 = tpu.memref_slice %arg4[%multiple_of3A] : memref<2048xi32, #tpu.memory_space<hbm>> -> memref<32xi32, #tpu.memory_space<hbm>>
        tpu.enqueue_dma source(%dma_start3A_29 : memref<32xi32, #tpu.memory_space<hbm>>) target(%arg7 : memref<32xi32, #tpu.memory_space<vmem>>) target_semaphore(%run_scoped3A : memref<!tpu.dma_semaphore, #tpu.memory_space<semaphore_mem>>)
        %dma_wait3A_30 = tpu.memref_slice %arg4[%multiple_of3A] : memref<2048xi32, #tpu.memory_space<hbm>> -> memref<32xi32, #tpu.memory_space<hbm>>
        %dma_wait3A_31 = tpu.memref_slice %arg4[%multiple_of3A] : memref<2048xi32, #tpu.memory_space<hbm>> -> memref<32xi32, #tpu.memory_space<hbm>>
        tpu.wait_dma2 semaphore(%run_scoped3A : memref<!tpu.dma_semaphore, #tpu.memory_space<semaphore_mem>>) src(%dma_wait3A_31 : memref<32xi32, #tpu.memory_space<hbm>>) dst(%arg7 : memref<32xi32, #tpu.memory_space<vmem>>)
        tpu.yield
      }) : () -> ()
      "tpu.region"() ({
        %run_scoped3A = tpu.sem_alloc : memref<!tpu.dma_semaphore, #tpu.memory_space<semaphore_mem>>
        %dma_start3A_28 = tpu.memref_slice %arg5[%multiple_of3A] : memref<2048xi32, #tpu.memory_space<hbm>> -> memref<32xi32, #tpu.memory_space<hbm>>
        %dma_start3A_29 = tpu.memref_slice %arg5[%multiple_of3A] : memref<2048xi32, #tpu.memory_space<hbm>> -> memref<32xi32, #tpu.memory_space<hbm>>
        tpu.enqueue_dma source(%dma_start3A_29 : memref<32xi32, #tpu.memory_space<hbm>>) target(%arg8 : memref<32xi32, #tpu.memory_space<vmem>>) target_semaphore(%run_scoped3A : memref<!tpu.dma_semaphore, #tpu.memory_space<semaphore_mem>>)
        %dma_wait3A_30 = tpu.memref_slice %arg5[%multiple_of3A] : memref<2048xi32, #tpu.memory_space<hbm>> -> memref<32xi32, #tpu.memory_space<hbm>>
        %dma_wait3A_31 = tpu.memref_slice %arg5[%multiple_of3A] : memref<2048xi32, #tpu.memory_space<hbm>> -> memref<32xi32, #tpu.memory_space<hbm>>
        tpu.wait_dma2 semaphore(%run_scoped3A : memref<!tpu.dma_semaphore, #tpu.memory_space<semaphore_mem>>) src(%dma_wait3A_31 : memref<32xi32, #tpu.memory_space<hbm>>) dst(%arg8 : memref<32xi32, #tpu.memory_space<vmem>>)
        tpu.yield
      }) : () -> ()
      %dma_start3A = arith.constant 0 : i32
      %dma_start3A_12 = arith.constant 0 : i32
      %dma_start3A_13 = tpu.memref_slice %arg2[%dma_start3A, %dma_start3A_12] : memref<12288x1024xf32, #tpu.memory_space<hbm>> -> memref<12288x1024xf32, #tpu.memory_space<hbm>>
      tpu.enqueue_indirect_dma source(%dma_start3A_13 : memref<12288x1024xf32, #tpu.memory_space<hbm>>) target(%arg9 : memref<32x1024xf32, #tpu.memory_space<vmem>>) offsets(%arg7 : memref<32xi32, #tpu.memory_space<vmem>>) semaphore(%arg12 : memref<!tpu.dma_semaphore, #tpu.memory_space<semaphore_mem>>)
      %dma_wait3A = arith.constant 0 : i32
      %dma_wait3A_14 = arith.constant 0 : i32
      %dma_wait3A_15 = tpu.memref_slice %arg2[%dma_wait3A, %dma_wait3A_14] : memref<12288x1024xf32, #tpu.memory_space<hbm>> -> memref<12288x1024xf32, #tpu.memory_space<hbm>>
      tpu.wait_indirect_dma semaphore(%arg12 : memref<!tpu.dma_semaphore, #tpu.memory_space<semaphore_mem>>) src(%dma_wait3A_15 : memref<12288x1024xf32, #tpu.memory_space<hbm>>) dst(%arg9 : memref<32x1024xf32, #tpu.memory_space<vmem>>)
      %dma_start3A_16 = arith.constant 0 : i32
      %dma_start3A_17 = arith.constant 0 : i32
      %dma_start3A_18 = tpu.memref_slice %arg2[%dma_start3A_16, %dma_start3A_17] : memref<12288x1024xf32, #tpu.memory_space<hbm>> -> memref<12288x1024xf32, #tpu.memory_space<hbm>>
      tpu.enqueue_indirect_dma source(%dma_start3A_18 : memref<12288x1024xf32, #tpu.memory_space<hbm>>) target(%arg10 : memref<32x1024xf32, #tpu.memory_space<vmem>>) offsets(%arg8 : memref<32xi32, #tpu.memory_space<vmem>>) semaphore(%arg12 : memref<!tpu.dma_semaphore, #tpu.memory_space<semaphore_mem>>)
      %dma_wait3A_19 = arith.constant 0 : i32
      %dma_wait3A_20 = arith.constant 0 : i32
      %dma_wait3A_21 = tpu.memref_slice %arg2[%dma_wait3A_19, %dma_wait3A_20] : memref<12288x1024xf32, #tpu.memory_space<hbm>> -> memref<12288x1024xf32, #tpu.memory_space<hbm>>
      tpu.wait_indirect_dma semaphore(%arg12 : memref<!tpu.dma_semaphore, #tpu.memory_space<semaphore_mem>>) src(%dma_wait3A_21 : memref<12288x1024xf32, #tpu.memory_space<hbm>>) dst(%arg10 : memref<32x1024xf32, #tpu.memory_space<vmem>>)
      "tpu.region"() ({
        %run_scoped3A = tpu.sem_alloc : memref<!tpu.dma_semaphore, #tpu.memory_space<semaphore_mem>>
        %dma_start3A_28 = arith.constant 0 : i32
        %dma_start3A_29 = tpu.memref_slice %arg3[%multiple_of3A, %dma_start3A_28] : memref<2048x1024xf32, #tpu.memory_space<hbm>> -> memref<32x1024xf32, #tpu.memory_space<hbm>>
        %dma_start3A_30 = arith.constant 0 : i32
        %dma_start3A_31 = tpu.memref_slice %arg3[%multiple_of3A, %dma_start3A_30] : memref<2048x1024xf32, #tpu.memory_space<hbm>> -> memref<32x1024xf32, #tpu.memory_space<hbm>>
        tpu.enqueue_dma source(%dma_start3A_31 : memref<32x1024xf32, #tpu.memory_space<hbm>>) target(%arg11 : memref<32x1024xf32, #tpu.memory_space<vmem>>) target_semaphore(%run_scoped3A : memref<!tpu.dma_semaphore, #tpu.memory_space<semaphore_mem>>)
        %dma_wait3A_32 = arith.constant 0 : i32
        %dma_wait3A_33 = tpu.memref_slice %arg3[%multiple_of3A, %dma_wait3A_32] : memref<2048x1024xf32, #tpu.memory_space<hbm>> -> memref<32x1024xf32, #tpu.memory_space<hbm>>
        %dma_wait3A_34 = arith.constant 0 : i32
        %dma_wait3A_35 = tpu.memref_slice %arg3[%multiple_of3A, %dma_wait3A_34] : memref<2048x1024xf32, #tpu.memory_space<hbm>> -> memref<32x1024xf32, #tpu.memory_space<hbm>>
        tpu.wait_dma2 semaphore(%run_scoped3A : memref<!tpu.dma_semaphore, #tpu.memory_space<semaphore_mem>>) src(%dma_wait3A_35 : memref<32x1024xf32, #tpu.memory_space<hbm>>) dst(%arg11 : memref<32x1024xf32, #tpu.memory_space<vmem>>)
        tpu.yield
      }) : () -> ()
      %scan3A_22 = arith.constant 0 : i32
      %scan3A_23 = arith.constant 0 : i32
      %scan3A_24 = arith.constant 32 : i32
      %scan3A_25 = arith.addi %scan3A_23, %scan3A_24 : i32
      %scan3A_26 = arith.constant 1 : i32
      scf.for %scan3A_28 = %scan3A_23 to %scan3A_25 step %scan3A_26  : i32 {
        %scan3A_29 = arith.constant 0 : i32
        %scan3A_30 = arith.constant 0 : i32
        %scan3A_31 = arith.constant 64 : i32
        %scan3A_32 = arith.addi %scan3A_30, %scan3A_31 : i32
        %scan3A_33 = arith.constant 1 : i32
        scf.for %scan3A_35 = %scan3A_30 to %scan3A_32 step %scan3A_33  : i32 {
          %mul3A_36 = arith.constant 16 : i32
          %mul3A_37 = arith.muli %scan3A_35, %mul3A_36 : i32
          %multiple_of3A_38 = tpu.assume_multiple %mul3A_37, 16 : i32
          %get3A = arith.index_cast %scan3A_28 : i32 to index
          %get3A_39 = arith.index_cast %multiple_of3A_38 : i32 to index
          %get3A_40 = tpu.vector_load %arg9[%get3A, %get3A_39] {strides = array<i32>} : memref<32x1024xf32, #tpu.memory_space<vmem>>, vector<1x16xf32>,
          %get3A_41 = vector.shape_cast %get3A_40 : vector<1x16xf32> to vector<16xf32>
          %get3A_42 = arith.index_cast %scan3A_28 : i32 to index
          %get3A_43 = arith.index_cast %multiple_of3A_38 : i32 to index
          %get3A_44 = tpu.vector_load %arg10[%get3A_42, %get3A_43] {strides = array<i32>} : memref<32x1024xf32, #tpu.memory_space<vmem>>, vector<1x16xf32>,
          %get3A_45 = vector.shape_cast %get3A_44 : vector<1x16xf32> to vector<16xf32>
          %add3A_46 = arith.addf %get3A_41, %get3A_45 : vector<16xf32>
          %get3A_47 = arith.index_cast %scan3A_28 : i32 to index
          %get3A_48 = arith.index_cast %multiple_of3A_38 : i32 to index
          %get3A_49 = tpu.vector_load %arg11[%get3A_47, %get3A_48] {strides = array<i32>} : memref<32x1024xf32, #tpu.memory_space<vmem>>, vector<1x16xf32>,
          %get3A_50 = vector.shape_cast %get3A_49 : vector<1x16xf32> to vector<16xf32>
          %add3A_51 = arith.addf %add3A_46, %get3A_50 : vector<16xf32>
          %swap3A = arith.index_cast %scan3A_28 : i32 to index
          %swap3A_52 = arith.index_cast %multiple_of3A_38 : i32 to index
          %swap3A_53 = tpu.vector_load %arg9[%swap3A, %swap3A_52] {strides = array<i32>} : memref<32x1024xf32, #tpu.memory_space<vmem>>, vector<1x16xf32>,
          %swap3A_54 = vector.shape_cast %swap3A_53 : vector<1x16xf32> to vector<16xf32>
          %swap3A_55 = vector.shape_cast %add3A_51 : vector<16xf32> to vector<1x16xf32>
          tpu.vector_store %arg9[%swap3A, %swap3A_52], %swap3A_55 {strides = array<i32>} : memref<32x1024xf32, #tpu.memory_space<vmem>>, vector<1x16xf32>,
        }
        %scan3A_34 = arith.constant 64 : i32
      }
      %scan3A_27 = arith.constant 32 : i32
      "tpu.region"() ({
        %run_scoped3A = tpu.sem_alloc : memref<!tpu.dma_semaphore, #tpu.memory_space<semaphore_mem>>
        %dma_start3A_28 = arith.constant 0 : i32
        %dma_start3A_29 = tpu.memref_slice %arg6[%multiple_of3A, %dma_start3A_28] : memref<2048x1024xf32, #tpu.memory_space<hbm>> -> memref<32x1024xf32, #tpu.memory_space<hbm>>
        %dma_start3A_30 = arith.constant 0 : i32
        %dma_start3A_31 = tpu.memref_slice %arg6[%multiple_of3A, %dma_start3A_30] : memref<2048x1024xf32, #tpu.memory_space<hbm>> -> memref<32x1024xf32, #tpu.memory_space<hbm>>
        tpu.enqueue_dma source(%arg9 : memref<32x1024xf32, #tpu.memory_space<vmem>>) target(%dma_start3A_31 : memref<32x1024xf32, #tpu.memory_space<hbm>>) target_semaphore(%run_scoped3A : memref<!tpu.dma_semaphore, #tpu.memory_space<semaphore_mem>>)
        %dma_wait3A_32 = arith.constant 0 : i32
        %dma_wait3A_33 = tpu.memref_slice %arg6[%multiple_of3A, %dma_wait3A_32] : memref<2048x1024xf32, #tpu.memory_space<hbm>> -> memref<32x1024xf32, #tpu.memory_space<hbm>>
        %dma_wait3A_34 = arith.constant 0 : i32
        %dma_wait3A_35 = tpu.memref_slice %arg6[%multiple_of3A, %dma_wait3A_34] : memref<2048x1024xf32, #tpu.memory_space<hbm>> -> memref<32x1024xf32, #tpu.memory_space<hbm>>
        tpu.wait_dma2 semaphore(%run_scoped3A : memref<!tpu.dma_semaphore, #tpu.memory_space<semaphore_mem>>) src(%arg9 : memref<32x1024xf32, #tpu.memory_space<vmem>>) dst(%dma_wait3A_35 : memref<32x1024xf32, #tpu.memory_space<hbm>>)
        tpu.yield
      }) : () -> ()
    }
    %scan3A_7 = arith.constant 2 : i32
    return
  }
}

module attributes {stable_mosaic.version = 14 : i64} {
  func.func @_router_body(%arg0: i32, %arg1: memref<512x1024xf32, #tpu.memory_space<vmem>>, %arg2: memref<1024x64xf32, #tpu.memory_space<vmem>>, %arg3: memref<512x2xi32, #tpu.memory_space<vmem>>, %arg4: memref<512x2xf32, #tpu.memory_space<vmem>>, %arg5: memref<512x2xi32, #tpu.memory_space<vmem>>, %arg6: memref<1x64xi32, #tpu.memory_space<vmem>>, %arg7: memref<1x64xi32, #tpu.memory_space<vmem>>) attributes {dimension_semantics = [#tpu.dimension_semantics<arbitrary>], iteration_bounds = array<i64: 4>, scalar_prefetch = 0 : i64, scratch_operands = 1 : i64, tpu.core_type = #tpu.core_type<tc>, window_params = [{transform_indices = @transform_0, window_bounds = array<i64: 512, 1024>}, {pipeline_mode = #tpu.pipeline_mode<synchronous>, transform_indices = @transform_1, window_bounds = array<i64: 1024, 64>}, {transform_indices = @transform_2, window_bounds = array<i64: 512, 2>}, {transform_indices = @transform_3, window_bounds = array<i64: 512, 2>}, {transform_indices = @transform_4, window_bounds = array<i64: 512, 2>}, {pipeline_mode = #tpu.pipeline_mode<synchronous>, transform_indices = @transform_5, window_bounds = array<i64: 1, 64>}]} {
    %eq3A = arith.constant 0 : i32
    %eq3A_0 = arith.cmpi eq, %arg0, %eq3A : i32
    %convert_element_type3A = arith.extui %eq3A_0 : i1 to i32
    %cond3A = arith.constant 0 : i32
    %cond3A_1 = arith.cmpi ne, %convert_element_type3A, %cond3A : i32
    scf.if %cond3A_1 {
      %broadcast_in_dim3A_126 = arith.constant 0 : i32
      %broadcast_in_dim3A_127 = vector.broadcast %broadcast_in_dim3A_126 : i32 to vector<1x64xi32>
      %swap3A_128 = arith.constant 0 : index
      %swap3A_129 = arith.constant 0 : index
      %swap3A_130 = vector.load %arg7[%swap3A_128, %swap3A_129] : memref<1x64xi32, #tpu.memory_space<vmem>>, vector<1x64xi32>
      tpu.vector_store %arg7[%swap3A_128, %swap3A_129], %broadcast_in_dim3A_127 {strides = array<i32>} : memref<1x64xi32, #tpu.memory_space<vmem>>, vector<1x64xi32>,
    } else {
    }
    %get3A = arith.constant 0 : index
    %get3A_2 = arith.constant 0 : index
    %get3A_3 = vector.load %arg1[%get3A, %get3A_2] : memref<512x1024xf32, #tpu.memory_space<vmem>>, vector<512x1024xf32>
    %get3A_4 = arith.constant 0 : index
    %get3A_5 = arith.constant 0 : index
    %get3A_6 = vector.load %arg2[%get3A_4, %get3A_5] : memref<1024x64xf32, #tpu.memory_space<vmem>>, vector<1024x64xf32>
    %dot_general3A = arith.constant dense<0.000000e+00> : vector<512x64xf32>
    %dot_general3A_7 = tpu.matmul %get3A_3, %get3A_6, %dot_general3A {dimension_numbers = #tpu.dot_dimension_numbers<[1], [0], [0], [1], [0, 0, 1, 1], [], []>, transpose_lhs_hint = false} : vector<512x1024xf32>, vector<1024x64xf32>, vector<512x64xf32> -> vector<512x64xf32>
    %logistic3A = arith.negf %dot_general3A_7 : vector<512x64xf32>
    %logistic3A_8 = math.exp %logistic3A : vector<512x64xf32>
    %logistic3A_9 = arith.constant 1.000000e+00 : f32
    %logistic3A_10 = vector.broadcast %logistic3A_9 : f32 to vector<512x64xf32>
    %logistic3A_11 = arith.addf %logistic3A_10, %logistic3A_8 : vector<512x64xf32>
    %logistic3A_12 = arith.divf %logistic3A_10, %logistic3A_11 : vector<512x64xf32>
    %iota3A = tpu.iota {dimensions = array<i32: 1>} : vector<512x64xi32>
    %reduce_max3A = arith.constant dense<0xFF800000> : vector<512xf32>
    %reduce_max3A_13 = vector.multi_reduction <maximumf>, %logistic3A_12, %reduce_max3A [1] : vector<512x64xf32> to vector<512xf32>
    %argmax3A = tpu.reduce_index %logistic3A_12 {axis = 1 : i32, kind = #tpu.reduction_kind<arg_max>} : vector<512x64xf32> -> vector<512xi32>
    %broadcast_in_dim3A = vector.shape_cast %argmax3A : vector<512xi32> to vector<512x1xi32>
    %eq3A_14 = vector.broadcast %broadcast_in_dim3A : vector<512x1xi32> to vector<512x64xi32>
    %eq3A_15 = arith.cmpi eq, %iota3A, %eq3A_14 : vector<512x64xi32>
    %jit3A = arith.constant 0xFF800000 : f32
    %broadcast_in_dim3A_16 = vector.broadcast %jit3A : f32 to vector<512x64xf32>
    %select_n3A = arith.select %eq3A_15, %broadcast_in_dim3A_16, %logistic3A_12 : vector<512x64xi1>, vector<512x64xf32>
    %reduce_max3A_17 = arith.constant dense<0xFF800000> : vector<512xf32>
    %reduce_max3A_18 = vector.multi_reduction <maximumf>, %select_n3A, %reduce_max3A_17 [1] : vector<512x64xf32> to vector<512xf32>
    %argmax3A_19 = tpu.reduce_index %select_n3A {axis = 1 : i32, kind = #tpu.reduction_kind<arg_max>} : vector<512x64xf32> -> vector<512xi32>
    %add3A = arith.addf %reduce_max3A_13, %reduce_max3A_18 : vector<512xf32>
    %max3A = arith.constant 9.99999996E-13 : f32
    %max3A_20 = vector.broadcast %max3A : f32 to vector<512xf32>
    %max3A_21 = arith.maximumf %add3A, %max3A_20 : vector<512xf32>
    %broadcast_in_dim3A_22 = vector.shape_cast %argmax3A : vector<512xi32> to vector<512x1xi32>
    %broadcast_in_dim3A_23 = vector.shape_cast %argmax3A_19 : vector<512xi32> to vector<512x1xi32>
    %concatenate3A = tpu.concatenate %broadcast_in_dim3A_22, %broadcast_in_dim3A_23 in 1 : vector<512x1xi32>, vector<512x1xi32> -> vector<512x2xi32>
    %swap3A = arith.constant 0 : index
    %swap3A_24 = arith.constant 0 : index
    %swap3A_25 = vector.load %arg3[%swap3A, %swap3A_24] : memref<512x2xi32, #tpu.memory_space<vmem>>, vector<512x2xi32>
    tpu.vector_store %arg3[%swap3A, %swap3A_24], %concatenate3A {strides = array<i32>} : memref<512x2xi32, #tpu.memory_space<vmem>>, vector<512x2xi32>,
    %div3A = arith.divf %reduce_max3A_13, %max3A_21 : vector<512xf32>
    %broadcast_in_dim3A_26 = vector.shape_cast %div3A : vector<512xf32> to vector<512x1xf32>
    %div3A_27 = arith.divf %reduce_max3A_18, %max3A_21 : vector<512xf32>
    %broadcast_in_dim3A_28 = vector.shape_cast %div3A_27 : vector<512xf32> to vector<512x1xf32>
    %concatenate3A_29 = tpu.concatenate %broadcast_in_dim3A_26, %broadcast_in_dim3A_28 in 1 : vector<512x1xf32>, vector<512x1xf32> -> vector<512x2xf32>
    %swap3A_30 = arith.constant 0 : index
    %swap3A_31 = arith.constant 0 : index
    %swap3A_32 = vector.load %arg4[%swap3A_30, %swap3A_31] : memref<512x2xf32, #tpu.memory_space<vmem>>, vector<512x2xf32>
    tpu.vector_store %arg4[%swap3A_30, %swap3A_31], %concatenate3A_29 {strides = array<i32>} : memref<512x2xf32, #tpu.memory_space<vmem>>, vector<512x2xf32>,
    %broadcast_in_dim3A_33 = vector.shape_cast %argmax3A : vector<512xi32> to vector<512x1xi32>
    %eq3A_34 = vector.broadcast %broadcast_in_dim3A_33 : vector<512x1xi32> to vector<512x64xi32>
    %eq3A_35 = arith.cmpi eq, %iota3A, %eq3A_34 : vector<512x64xi32>
    %convert_element_type3A_36 = arith.extui %eq3A_35 : vector<512x64xi1> to vector<512x64xi32>
    %broadcast_in_dim3A_37 = vector.shape_cast %argmax3A_19 : vector<512xi32> to vector<512x1xi32>
    %eq3A_38 = vector.broadcast %broadcast_in_dim3A_37 : vector<512x1xi32> to vector<512x64xi32>
    %eq3A_39 = arith.cmpi eq, %iota3A, %eq3A_38 : vector<512x64xi32>
    %convert_element_type3A_40 = arith.extui %eq3A_39 : vector<512x64xi1> to vector<512x64xi32>
    %concatenate3A_41 = tpu.concatenate %convert_element_type3A_36, %convert_element_type3A_40 in 0 : vector<512x64xi32>, vector<512x64xi32> -> vector<1024x64xi32>
    %broadcast_in_dim3A_42 = arith.constant 0 : i32
    %broadcast_in_dim3A_43 = vector.broadcast %broadcast_in_dim3A_42 : i32 to vector<1x64xi32>
    %slice3A = vector.extract_strided_slice %concatenate3A_41 {offsets = [0, 0], sizes = [1023, 64], strides = [1, 1]} : vector<1024x64xi32> to vector<1023x64xi32>
    %concatenate3A_44 = tpu.concatenate %broadcast_in_dim3A_43, %slice3A in 0 : vector<1x64xi32>, vector<1023x64xi32> -> vector<1024x64xi32>
    %add3A_45 = arith.addi %concatenate3A_41, %concatenate3A_44 : vector<1024x64xi32>
    %broadcast_in_dim3A_46 = arith.constant 0 : i32
    %broadcast_in_dim3A_47 = vector.broadcast %broadcast_in_dim3A_46 : i32 to vector<2x64xi32>
    %slice3A_48 = vector.extract_strided_slice %add3A_45 {offsets = [0, 0], sizes = [1022, 64], strides = [1, 1]} : vector<1024x64xi32> to vector<1022x64xi32>
    %concatenate3A_49 = tpu.concatenate %broadcast_in_dim3A_47, %slice3A_48 in 0 : vector<2x64xi32>, vector<1022x64xi32> -> vector<1024x64xi32>
    %add3A_50 = arith.addi %add3A_45, %concatenate3A_49 : vector<1024x64xi32>
    %broadcast_in_dim3A_51 = arith.constant 0 : i32
    %broadcast_in_dim3A_52 = vector.broadcast %broadcast_in_dim3A_51 : i32 to vector<4x64xi32>
    %slice3A_53 = vector.extract_strided_slice %add3A_50 {offsets = [0, 0], sizes = [1020, 64], strides = [1, 1]} : vector<1024x64xi32> to vector<1020x64xi32>
    %concatenate3A_54 = tpu.concatenate %broadcast_in_dim3A_52, %slice3A_53 in 0 : vector<4x64xi32>, vector<1020x64xi32> -> vector<1024x64xi32>
    %add3A_55 = arith.addi %add3A_50, %concatenate3A_54 : vector<1024x64xi32>
    %broadcast_in_dim3A_56 = arith.constant 0 : i32
    %broadcast_in_dim3A_57 = vector.broadcast %broadcast_in_dim3A_56 : i32 to vector<8x64xi32>
    %slice3A_58 = vector.extract_strided_slice %add3A_55 {offsets = [0, 0], sizes = [1016, 64], strides = [1, 1]} : vector<1024x64xi32> to vector<1016x64xi32>
    %concatenate3A_59 = tpu.concatenate %broadcast_in_dim3A_57, %slice3A_58 in 0 : vector<8x64xi32>, vector<1016x64xi32> -> vector<1024x64xi32>
    %add3A_60 = arith.addi %add3A_55, %concatenate3A_59 : vector<1024x64xi32>
    %broadcast_in_dim3A_61 = arith.constant 0 : i32
    %broadcast_in_dim3A_62 = vector.broadcast %broadcast_in_dim3A_61 : i32 to vector<16x64xi32>
    %slice3A_63 = vector.extract_strided_slice %add3A_60 {offsets = [0, 0], sizes = [1008, 64], strides = [1, 1]} : vector<1024x64xi32> to vector<1008x64xi32>
    %concatenate3A_64 = tpu.concatenate %broadcast_in_dim3A_62, %slice3A_63 in 0 : vector<16x64xi32>, vector<1008x64xi32> -> vector<1024x64xi32>
    %add3A_65 = arith.addi %add3A_60, %concatenate3A_64 : vector<1024x64xi32>
    %broadcast_in_dim3A_66 = arith.constant 0 : i32
    %broadcast_in_dim3A_67 = vector.broadcast %broadcast_in_dim3A_66 : i32 to vector<32x64xi32>
    %slice3A_68 = vector.extract_strided_slice %add3A_65 {offsets = [0, 0], sizes = [992, 64], strides = [1, 1]} : vector<1024x64xi32> to vector<992x64xi32>
    %concatenate3A_69 = tpu.concatenate %broadcast_in_dim3A_67, %slice3A_68 in 0 : vector<32x64xi32>, vector<992x64xi32> -> vector<1024x64xi32>
    %add3A_70 = arith.addi %add3A_65, %concatenate3A_69 : vector<1024x64xi32>
    %broadcast_in_dim3A_71 = arith.constant 0 : i32
    %broadcast_in_dim3A_72 = vector.broadcast %broadcast_in_dim3A_71 : i32 to vector<64x64xi32>
    %slice3A_73 = vector.extract_strided_slice %add3A_70 {offsets = [0, 0], sizes = [960, 64], strides = [1, 1]} : vector<1024x64xi32> to vector<960x64xi32>
    %concatenate3A_74 = tpu.concatenate %broadcast_in_dim3A_72, %slice3A_73 in 0 : vector<64x64xi32>, vector<960x64xi32> -> vector<1024x64xi32>
    %add3A_75 = arith.addi %add3A_70, %concatenate3A_74 : vector<1024x64xi32>
    %broadcast_in_dim3A_76 = arith.constant 0 : i32
    %broadcast_in_dim3A_77 = vector.broadcast %broadcast_in_dim3A_76 : i32 to vector<128x64xi32>
    %slice3A_78 = vector.extract_strided_slice %add3A_75 {offsets = [0, 0], sizes = [896, 64], strides = [1, 1]} : vector<1024x64xi32> to vector<896x64xi32>
    %concatenate3A_79 = tpu.concatenate %broadcast_in_dim3A_77, %slice3A_78 in 0 : vector<128x64xi32>, vector<896x64xi32> -> vector<1024x64xi32>
    %add3A_80 = arith.addi %add3A_75, %concatenate3A_79 : vector<1024x64xi32>
    %broadcast_in_dim3A_81 = arith.constant 0 : i32
    %broadcast_in_dim3A_82 = vector.broadcast %broadcast_in_dim3A_81 : i32 to vector<256x64xi32>
    %slice3A_83 = vector.extract_strided_slice %add3A_80 {offsets = [0, 0], sizes = [768, 64], strides = [1, 1]} : vector<1024x64xi32> to vector<768x64xi32>
    %concatenate3A_84 = tpu.concatenate %broadcast_in_dim3A_82, %slice3A_83 in 0 : vector<256x64xi32>, vector<768x64xi32> -> vector<1024x64xi32>
    %add3A_85 = arith.addi %add3A_80, %concatenate3A_84 : vector<1024x64xi32>
    %broadcast_in_dim3A_86 = arith.constant 0 : i32
    %broadcast_in_dim3A_87 = vector.broadcast %broadcast_in_dim3A_86 : i32 to vector<512x64xi32>
    %slice3A_88 = vector.extract_strided_slice %add3A_85 {offsets = [0, 0], sizes = [512, 64], strides = [1, 1]} : vector<1024x64xi32> to vector<512x64xi32>
    %concatenate3A_89 = tpu.concatenate %broadcast_in_dim3A_87, %slice3A_88 in 0 : vector<512x64xi32>, vector<512x64xi32> -> vector<1024x64xi32>
    %add3A_90 = arith.addi %add3A_85, %concatenate3A_89 : vector<1024x64xi32>
    %sub3A = arith.constant 1 : i32
    %sub3A_91 = vector.broadcast %sub3A : i32 to vector<1024x64xi32>
    %sub3A_92 = arith.subi %add3A_90, %sub3A_91 : vector<1024x64xi32>
    %get3A_93 = arith.constant 0 : index
    %get3A_94 = arith.constant 0 : index
    %get3A_95 = vector.load %arg7[%get3A_93, %get3A_94] : memref<1x64xi32, #tpu.memory_space<vmem>>, vector<1x64xi32>
    %add3A_96 = vector.broadcast %get3A_95 : vector<1x64xi32> to vector<1024x64xi32>
    %add3A_97 = arith.addi %sub3A_92, %add3A_96 : vector<1024x64xi32>
    %slice3A_98 = vector.extract_strided_slice %concatenate3A_41 {offsets = [0, 0], sizes = [512, 64], strides = [1, 1]} : vector<1024x64xi32> to vector<512x64xi32>
    %slice3A_99 = vector.extract_strided_slice %add3A_97 {offsets = [0, 0], sizes = [512, 64], strides = [1, 1]} : vector<1024x64xi32> to vector<512x64xi32>
    %mul3A = arith.muli %slice3A_98, %slice3A_99 : vector<512x64xi32>
    %reduce_sum3A = arith.constant dense<0> : vector<512xi32>
    %reduce_sum3A_100 = vector.multi_reduction <add>, %mul3A, %reduce_sum3A [1] : vector<512x64xi32> to vector<512xi32>
    %slice3A_101 = vector.extract_strided_slice %concatenate3A_41 {offsets = [512, 0], sizes = [512, 64], strides = [1, 1]} : vector<1024x64xi32> to vector<512x64xi32>
    %slice3A_102 = vector.extract_strided_slice %add3A_97 {offsets = [512, 0], sizes = [512, 64], strides = [1, 1]} : vector<1024x64xi32> to vector<512x64xi32>
    %mul3A_103 = arith.muli %slice3A_101, %slice3A_102 : vector<512x64xi32>
    %reduce_sum3A_104 = arith.constant dense<0> : vector<512xi32>
    %reduce_sum3A_105 = vector.multi_reduction <add>, %mul3A_103, %reduce_sum3A_104 [1] : vector<512x64xi32> to vector<512xi32>
    %broadcast_in_dim3A_106 = vector.shape_cast %reduce_sum3A_100 : vector<512xi32> to vector<512x1xi32>
    %broadcast_in_dim3A_107 = vector.shape_cast %reduce_sum3A_105 : vector<512xi32> to vector<512x1xi32>
    %concatenate3A_108 = tpu.concatenate %broadcast_in_dim3A_106, %broadcast_in_dim3A_107 in 1 : vector<512x1xi32>, vector<512x1xi32> -> vector<512x2xi32>
    %swap3A_109 = arith.constant 0 : index
    %swap3A_110 = arith.constant 0 : index
    %swap3A_111 = vector.load %arg5[%swap3A_109, %swap3A_110] : memref<512x2xi32, #tpu.memory_space<vmem>>, vector<512x2xi32>
    tpu.vector_store %arg5[%swap3A_109, %swap3A_110], %concatenate3A_108 {strides = array<i32>} : memref<512x2xi32, #tpu.memory_space<vmem>>, vector<512x2xi32>,
    %get3A_112 = arith.constant 0 : index
    %get3A_113 = arith.constant 0 : index
    %get3A_114 = vector.load %arg7[%get3A_112, %get3A_113] : memref<1x64xi32, #tpu.memory_space<vmem>>, vector<1x64xi32>
    %slice3A_115 = vector.extract_strided_slice %add3A_90 {offsets = [1023, 0], sizes = [1, 64], strides = [1, 1]} : vector<1024x64xi32> to vector<1x64xi32>
    %add3A_116 = arith.addi %get3A_114, %slice3A_115 : vector<1x64xi32>
    %swap3A_117 = arith.constant 0 : index
    %swap3A_118 = arith.constant 0 : index
    %swap3A_119 = vector.load %arg7[%swap3A_117, %swap3A_118] : memref<1x64xi32, #tpu.memory_space<vmem>>, vector<1x64xi32>
    tpu.vector_store %arg7[%swap3A_117, %swap3A_118], %add3A_116 {strides = array<i32>} : memref<1x64xi32, #tpu.memory_space<vmem>>, vector<1x64xi32>,
    %get3A_120 = arith.constant 0 : index
    %get3A_121 = arith.constant 0 : index
    %get3A_122 = vector.load %arg7[%get3A_120, %get3A_121] : memref<1x64xi32, #tpu.memory_space<vmem>>, vector<1x64xi32>
    %swap3A_123 = arith.constant 0 : index
    %swap3A_124 = arith.constant 0 : index
    %swap3A_125 = vector.load %arg6[%swap3A_123, %swap3A_124] : memref<1x64xi32, #tpu.memory_space<vmem>>, vector<1x64xi32>
    tpu.vector_store %arg6[%swap3A_123, %swap3A_124], %get3A_122 {strides = array<i32>} : memref<1x64xi32, #tpu.memory_space<vmem>>, vector<1x64xi32>,
    return
  }
  func.func @transform_0(%arg0: i32) -> (i32, i32) {
    %c0_i32 = arith.constant 0 : i32
    %c0_i32_0 = arith.constant 0 : i32
    return %arg0, %c0_i32 : i32, i32
  }
  func.func @transform_1(%arg0: i32) -> (i32, i32) {
    %c0_i32 = arith.constant 0 : i32
    %c0_i32_0 = arith.constant 0 : i32
    %c0_i32_1 = arith.constant 0 : i32
    return %c0_i32, %c0_i32_0 : i32, i32
  }
  func.func @transform_2(%arg0: i32) -> (i32, i32) {
    %c0_i32 = arith.constant 0 : i32
    %c0_i32_0 = arith.constant 0 : i32
    return %arg0, %c0_i32 : i32, i32
  }
  func.func @transform_3(%arg0: i32) -> (i32, i32) {
    %c0_i32 = arith.constant 0 : i32
    %c0_i32_0 = arith.constant 0 : i32
    return %arg0, %c0_i32 : i32, i32
  }
  func.func @transform_4(%arg0: i32) -> (i32, i32) {
    %c0_i32 = arith.constant 0 : i32
    %c0_i32_0 = arith.constant 0 : i32
    return %arg0, %c0_i32 : i32, i32
  }
  func.func @transform_5(%arg0: i32) -> (i32, i32) {
    %c0_i32 = arith.constant 0 : i32
    %c0_i32_0 = arith.constant 0 : i32
    %c0_i32_1 = arith.constant 0 : i32
    return %c0_i32, %c0_i32_0 : i32, i32
  }
}

module attributes {stable_mosaic.version = 14 : i64} {
  func.func @_shared_body(%arg0: i32, %arg1: memref<256x1024xf32, #tpu.memory_space<vmem>>, %arg2: memref<1024x1024xf32, #tpu.memory_space<vmem>>, %arg3: memref<1024x1024xf32, #tpu.memory_space<vmem>>, %arg4: memref<1024x1024xf32, #tpu.memory_space<vmem>>, %arg5: memref<256x1024xf32, #tpu.memory_space<vmem>>) attributes {dimension_semantics = [#tpu.dimension_semantics<arbitrary>], iteration_bounds = array<i64: 8>, scalar_prefetch = 0 : i64, scratch_operands = 0 : i64, tpu.core_type = #tpu.core_type<tc>, window_params = [{transform_indices = @transform_0, window_bounds = array<i64: 256, 1024>}, {pipeline_mode = #tpu.pipeline_mode<synchronous>, transform_indices = @transform_1, window_bounds = array<i64: 1024, 1024>}, {pipeline_mode = #tpu.pipeline_mode<synchronous>, transform_indices = @transform_2, window_bounds = array<i64: 1024, 1024>}, {pipeline_mode = #tpu.pipeline_mode<synchronous>, transform_indices = @transform_3, window_bounds = array<i64: 1024, 1024>}, {transform_indices = @transform_4, window_bounds = array<i64: 256, 1024>}]} {
    %get3A = arith.constant 0 : index
    %get3A_0 = arith.constant 0 : index
    %get3A_1 = vector.load %arg1[%get3A, %get3A_0] : memref<256x1024xf32, #tpu.memory_space<vmem>>, vector<256x1024xf32>
    %get3A_2 = arith.constant 0 : index
    %get3A_3 = arith.constant 0 : index
    %get3A_4 = vector.load %arg2[%get3A_2, %get3A_3] : memref<1024x1024xf32, #tpu.memory_space<vmem>>, vector<1024x1024xf32>
    %dot_general3A = arith.constant dense<0.000000e+00> : vector<256x1024xf32>
    %dot_general3A_5 = tpu.matmul %get3A_1, %get3A_4, %dot_general3A {dimension_numbers = #tpu.dot_dimension_numbers<[1], [0], [0], [1], [0, 0, 1, 1], [], []>, transpose_lhs_hint = false} : vector<256x1024xf32>, vector<1024x1024xf32>, vector<256x1024xf32> -> vector<256x1024xf32>
    %logistic3A = arith.negf %dot_general3A_5 : vector<256x1024xf32>
    %logistic3A_6 = math.exp %logistic3A : vector<256x1024xf32>
    %logistic3A_7 = arith.constant 1.000000e+00 : f32
    %logistic3A_8 = vector.broadcast %logistic3A_7 : f32 to vector<256x1024xf32>
    %logistic3A_9 = arith.addf %logistic3A_8, %logistic3A_6 : vector<256x1024xf32>
    %logistic3A_10 = arith.divf %logistic3A_8, %logistic3A_9 : vector<256x1024xf32>
    %mul3A = arith.mulf %dot_general3A_5, %logistic3A_10 : vector<256x1024xf32>
    %get3A_11 = arith.constant 0 : index
    %get3A_12 = arith.constant 0 : index
    %get3A_13 = vector.load %arg3[%get3A_11, %get3A_12] : memref<1024x1024xf32, #tpu.memory_space<vmem>>, vector<1024x1024xf32>
    %dot_general3A_14 = arith.constant dense<0.000000e+00> : vector<256x1024xf32>
    %dot_general3A_15 = tpu.matmul %get3A_1, %get3A_13, %dot_general3A_14 {dimension_numbers = #tpu.dot_dimension_numbers<[1], [0], [0], [1], [0, 0, 1, 1], [], []>, transpose_lhs_hint = false} : vector<256x1024xf32>, vector<1024x1024xf32>, vector<256x1024xf32> -> vector<256x1024xf32>
    %mul3A_16 = arith.mulf %mul3A, %dot_general3A_15 : vector<256x1024xf32>
    %get3A_17 = arith.constant 0 : index
    %get3A_18 = arith.constant 0 : index
    %get3A_19 = vector.load %arg4[%get3A_17, %get3A_18] : memref<1024x1024xf32, #tpu.memory_space<vmem>>, vector<1024x1024xf32>
    %dot_general3A_20 = arith.constant dense<0.000000e+00> : vector<256x1024xf32>
    %dot_general3A_21 = tpu.matmul %mul3A_16, %get3A_19, %dot_general3A_20 {dimension_numbers = #tpu.dot_dimension_numbers<[1], [0], [0], [1], [0, 0, 1, 1], [], []>, transpose_lhs_hint = false} : vector<256x1024xf32>, vector<1024x1024xf32>, vector<256x1024xf32> -> vector<256x1024xf32>
    %swap3A = arith.constant 0 : index
    %swap3A_22 = arith.constant 0 : index
    %swap3A_23 = vector.load %arg5[%swap3A, %swap3A_22] : memref<256x1024xf32, #tpu.memory_space<vmem>>, vector<256x1024xf32>
    tpu.vector_store %arg5[%swap3A, %swap3A_22], %dot_general3A_21 {strides = array<i32>} : memref<256x1024xf32, #tpu.memory_space<vmem>>, vector<256x1024xf32>,
    return
  }
  func.func @transform_0(%arg0: i32) -> (i32, i32) {
    %c0_i32 = arith.constant 0 : i32
    %c0_i32_0 = arith.constant 0 : i32
    return %arg0, %c0_i32 : i32, i32
  }
  func.func @transform_1(%arg0: i32) -> (i32, i32) {
    %c0_i32 = arith.constant 0 : i32
    %c0_i32_0 = arith.constant 0 : i32
    %c0_i32_1 = arith.constant 0 : i32
    return %c0_i32, %c0_i32_0 : i32, i32
  }
  func.func @transform_2(%arg0: i32) -> (i32, i32) {
    %c0_i32 = arith.constant 0 : i32
    %c0_i32_0 = arith.constant 0 : i32
    %c0_i32_1 = arith.constant 0 : i32
    return %c0_i32, %c0_i32_0 : i32, i32
  }
  func.func @transform_3(%arg0: i32) -> (i32, i32) {
    %c0_i32 = arith.constant 0 : i32
    %c0_i32_0 = arith.constant 0 : i32
    %c0_i32_1 = arith.constant 0 : i32
    return %c0_i32, %c0_i32_0 : i32, i32
  }
  func.func @transform_4(%arg0: i32) -> (i32, i32) {
    %c0_i32 = arith.constant 0 : i32
    %c0_i32_0 = arith.constant 0 : i32
    return %arg0, %c0_i32 : i32, i32
  }
}

module attributes {stable_mosaic.version = 14 : i64} {
  func.func @_gemm_body(%arg0: i32, %arg1: memref<96xi32, #tpu.memory_space<smem>>, %arg2: memref<96xi32, #tpu.memory_space<smem>>, %arg3: memref<12288xi32, #tpu.memory_space<smem>>, %arg4: memref<96xi32, #tpu.memory_space<smem>>, %arg5: memref<96xi32, #tpu.memory_space<smem>>, %arg6: memref<2048x1024xf32, #tpu.memory_space<any>>, %arg7: memref<1x1024x512xf32, #tpu.memory_space<vmem>>, %arg8: memref<1x1024x512xf32, #tpu.memory_space<vmem>>, %arg9: memref<1x512x1024xf32, #tpu.memory_space<vmem>>, %arg10: memref<1x1x128xf32, #tpu.memory_space<vmem>>, %arg11: memref<128x1024xf32, #tpu.memory_space<vmem>>, %arg12: memref<2x128x1024xf32, #tpu.memory_space<vmem>>, %arg13: memref<2x!tpu.dma_semaphore, #tpu.memory_space<semaphore_mem>>) attributes {dimension_semantics = [#tpu.dimension_semantics<arbitrary>], iteration_bounds = array<i64: 96>, scalar_prefetch = 5 : i64, scratch_operands = 2 : i64, tpu.core_type = #tpu.core_type<tc>, window_params = [{}, {transform_indices = @transform_1, window_bounds = array<i64: 1, 1024, 512>}, {transform_indices = @transform_2, window_bounds = array<i64: 1, 1024, 512>}, {transform_indices = @transform_3, window_bounds = array<i64: 1, 512, 1024>}, {transform_indices = @transform_4, window_bounds = array<i64: 1, 1, 128>}, {transform_indices = @transform_5, window_bounds = array<i64: 128, 1024>}]} {
    %eq3A = arith.constant 0 : i32
    %eq3A_0 = arith.cmpi eq, %arg0, %eq3A : i32
    %convert_element_type3A = arith.extui %eq3A_0 : i1 to i32
    %cond3A = arith.constant 0 : i32
    %cond3A_1 = arith.cmpi ne, %convert_element_type3A, %cond3A : i32
    scf.if %cond3A_1 {
      %rem3A = arith.constant 0 : i32
      %rem3A_12 = arith.constant 2 : i32
      %rem3A_13 = arith.remsi %rem3A, %rem3A_12 : i32
      %get3A_14 = arith.constant 0 : index
      %get3A_15 = memref.load %arg4[%get3A_14] : memref<96xi32, #tpu.memory_space<smem>>
      %while3A = arith.constant 0 : i32
      %while3A_16 = arith.constant 0 : i32
      %while3A_17 = arith.subi %get3A_15, %while3A_16 : i32
      %while3A_18 = arith.addi %while3A_16, %while3A_17 : i32
      %while3A_19 = arith.constant 1 : i32
      %while3A_20 = arith.divsi %while3A_17, %while3A_19 : i32
      %while3A_21 = arith.muli %while3A_20, %while3A_19 : i32
      %while3A_22 = arith.addi %while3A_16, %while3A_21 : i32
      %while3A_23 = arith.constant 1 : i32
      scf.for %while3A_25 = %while3A_16 to %while3A_22 step %while3A_23  : i32 {
        %add3A_26 = arith.constant 0 : i32
        %add3A_27 = arith.addi %add3A_26, %while3A_25 : i32
        %get3A_28 = arith.index_cast %add3A_27 : i32 to index
        %get3A_29 = memref.load %arg3[%get3A_28] : memref<12288xi32, #tpu.memory_space<smem>>
        %jit3A = arith.constant 0 : i32
        %jit3A_30 = arith.constant 2047 : i32
        %max3A = arith.maxsi %jit3A, %get3A_29 : i32
        %min3A = arith.minsi %jit3A_30, %max3A : i32
        %dma_start3A = tpu.memref_slice %arg13[%rem3A_13] : memref<2x!tpu.dma_semaphore, #tpu.memory_space<semaphore_mem>> -> memref<1x!tpu.dma_semaphore, #tpu.memory_space<semaphore_mem>>
        %dma_start3A_31 = tpu.memref_squeeze %dma_start3A : memref<1x!tpu.dma_semaphore, #tpu.memory_space<semaphore_mem>> -> memref<!tpu.dma_semaphore, #tpu.memory_space<semaphore_mem>>
        %dma_start3A_32 = arith.constant 0 : i32
        %dma_start3A_33 = tpu.memref_slice %arg12[%rem3A_13, %while3A_25, %dma_start3A_32] : memref<2x128x1024xf32, #tpu.memory_space<vmem>> -> memref<1x1x1024xf32, #tpu.memory_space<vmem>>
        %dma_start3A_34 = tpu.memref_squeeze %dma_start3A_33 : memref<1x1x1024xf32, #tpu.memory_space<vmem>> -> memref<1x1024xf32, #tpu.memory_space<vmem>>
        %dma_start3A_35 = arith.constant 0 : i32
        %dma_start3A_36 = tpu.memref_slice %arg6[%min3A, %dma_start3A_35] : memref<2048x1024xf32, #tpu.memory_space<any>> -> memref<1x1024xf32, #tpu.memory_space<any>>
        tpu.enqueue_dma source(%dma_start3A_36 : memref<1x1024xf32, #tpu.memory_space<any>>) target(%dma_start3A_34 : memref<1x1024xf32, #tpu.memory_space<vmem>>) target_semaphore(%dma_start3A_31 : memref<!tpu.dma_semaphore, #tpu.memory_space<semaphore_mem>>)
      }
      %while3A_24 = arith.constant 1 : i32
      scf.for %while3A_25 = %while3A_22 to %while3A_18 step %while3A_24  : i32 {
        %add3A_26 = arith.constant 0 : i32
        %add3A_27 = arith.addi %add3A_26, %while3A_25 : i32
        %get3A_28 = arith.index_cast %add3A_27 : i32 to index
        %get3A_29 = memref.load %arg3[%get3A_28] : memref<12288xi32, #tpu.memory_space<smem>>
        %jit3A = arith.constant 0 : i32
        %jit3A_30 = arith.constant 2047 : i32
        %max3A = arith.maxsi %jit3A, %get3A_29 : i32
        %min3A = arith.minsi %jit3A_30, %max3A : i32
        %dma_start3A = tpu.memref_slice %arg13[%rem3A_13] : memref<2x!tpu.dma_semaphore, #tpu.memory_space<semaphore_mem>> -> memref<1x!tpu.dma_semaphore, #tpu.memory_space<semaphore_mem>>
        %dma_start3A_31 = tpu.memref_squeeze %dma_start3A : memref<1x!tpu.dma_semaphore, #tpu.memory_space<semaphore_mem>> -> memref<!tpu.dma_semaphore, #tpu.memory_space<semaphore_mem>>
        %dma_start3A_32 = arith.constant 0 : i32
        %dma_start3A_33 = tpu.memref_slice %arg12[%rem3A_13, %while3A_25, %dma_start3A_32] : memref<2x128x1024xf32, #tpu.memory_space<vmem>> -> memref<1x1x1024xf32, #tpu.memory_space<vmem>>
        %dma_start3A_34 = tpu.memref_squeeze %dma_start3A_33 : memref<1x1x1024xf32, #tpu.memory_space<vmem>> -> memref<1x1024xf32, #tpu.memory_space<vmem>>
        %dma_start3A_35 = arith.constant 0 : i32
        %dma_start3A_36 = tpu.memref_slice %arg6[%min3A, %dma_start3A_35] : memref<2048x1024xf32, #tpu.memory_space<any>> -> memref<1x1024xf32, #tpu.memory_space<any>>
        tpu.enqueue_dma source(%dma_start3A_36 : memref<1x1024xf32, #tpu.memory_space<any>>) target(%dma_start3A_34 : memref<1x1024xf32, #tpu.memory_space<vmem>>) target_semaphore(%dma_start3A_31 : memref<!tpu.dma_semaphore, #tpu.memory_space<semaphore_mem>>)
      }
    } else {
    }
    %add3A = arith.constant 1 : i32
    %add3A_2 = arith.addi %arg0, %add3A : i32
    %lt3A = arith.constant 96 : i32
    %lt3A_3 = arith.cmpi slt, %add3A_2, %lt3A : i32
    %convert_element_type3A_4 = arith.extui %lt3A_3 : i1 to i32
    %cond3A_5 = arith.constant 0 : i32
    %cond3A_6 = arith.cmpi ne, %convert_element_type3A_4, %cond3A_5 : i32
    scf.if %cond3A_6 {
      %add3A_12 = arith.constant 1 : i32
      %add3A_13 = arith.addi %arg0, %add3A_12 : i32
      %min3A = arith.constant 95 : i32
      %min3A_14 = arith.minsi %add3A_13, %min3A : i32
      %rem3A = arith.constant 2 : i32
      %rem3A_15 = arith.remsi %min3A_14, %rem3A : i32
      %mul3A = arith.constant 128 : i32
      %mul3A_16 = arith.muli %min3A_14, %mul3A : i32
      %get3A_17 = arith.index_cast %min3A_14 : i32 to index
      %get3A_18 = memref.load %arg4[%get3A_17] : memref<96xi32, #tpu.memory_space<smem>>
      %while3A = arith.constant 0 : i32
      %while3A_19 = arith.constant 0 : i32
      %while3A_20 = arith.subi %get3A_18, %while3A_19 : i32
      %while3A_21 = arith.addi %while3A_19, %while3A_20 : i32
      %while3A_22 = arith.constant 1 : i32
      %while3A_23 = arith.divsi %while3A_20, %while3A_22 : i32
      %while3A_24 = arith.muli %while3A_23, %while3A_22 : i32
      %while3A_25 = arith.addi %while3A_19, %while3A_24 : i32
      %while3A_26 = arith.constant 1 : i32
      scf.for %while3A_28 = %while3A_19 to %while3A_25 step %while3A_26  : i32 {
        %add3A_29 = arith.addi %mul3A_16, %while3A_28 : i32
        %get3A_30 = arith.index_cast %add3A_29 : i32 to index
        %get3A_31 = memref.load %arg3[%get3A_30] : memref<12288xi32, #tpu.memory_space<smem>>
        %jit3A = arith.constant 0 : i32
        %jit3A_32 = arith.constant 2047 : i32
        %max3A = arith.maxsi %jit3A, %get3A_31 : i32
        %min3A_33 = arith.minsi %jit3A_32, %max3A : i32
        %dma_start3A = tpu.memref_slice %arg13[%rem3A_15] : memref<2x!tpu.dma_semaphore, #tpu.memory_space<semaphore_mem>> -> memref<1x!tpu.dma_semaphore, #tpu.memory_space<semaphore_mem>>
        %dma_start3A_34 = tpu.memref_squeeze %dma_start3A : memref<1x!tpu.dma_semaphore, #tpu.memory_space<semaphore_mem>> -> memref<!tpu.dma_semaphore, #tpu.memory_space<semaphore_mem>>
        %dma_start3A_35 = arith.constant 0 : i32
        %dma_start3A_36 = tpu.memref_slice %arg12[%rem3A_15, %while3A_28, %dma_start3A_35] : memref<2x128x1024xf32, #tpu.memory_space<vmem>> -> memref<1x1x1024xf32, #tpu.memory_space<vmem>>
        %dma_start3A_37 = tpu.memref_squeeze %dma_start3A_36 : memref<1x1x1024xf32, #tpu.memory_space<vmem>> -> memref<1x1024xf32, #tpu.memory_space<vmem>>
        %dma_start3A_38 = arith.constant 0 : i32
        %dma_start3A_39 = tpu.memref_slice %arg6[%min3A_33, %dma_start3A_38] : memref<2048x1024xf32, #tpu.memory_space<any>> -> memref<1x1024xf32, #tpu.memory_space<any>>
        tpu.enqueue_dma source(%dma_start3A_39 : memref<1x1024xf32, #tpu.memory_space<any>>) target(%dma_start3A_37 : memref<1x1024xf32, #tpu.memory_space<vmem>>) target_semaphore(%dma_start3A_34 : memref<!tpu.dma_semaphore, #tpu.memory_space<semaphore_mem>>)
      }
      %while3A_27 = arith.constant 1 : i32
      scf.for %while3A_28 = %while3A_25 to %while3A_21 step %while3A_27  : i32 {
        %add3A_29 = arith.addi %mul3A_16, %while3A_28 : i32
        %get3A_30 = arith.index_cast %add3A_29 : i32 to index
        %get3A_31 = memref.load %arg3[%get3A_30] : memref<12288xi32, #tpu.memory_space<smem>>
        %jit3A = arith.constant 0 : i32
        %jit3A_32 = arith.constant 2047 : i32
        %max3A = arith.maxsi %jit3A, %get3A_31 : i32
        %min3A_33 = arith.minsi %jit3A_32, %max3A : i32
        %dma_start3A = tpu.memref_slice %arg13[%rem3A_15] : memref<2x!tpu.dma_semaphore, #tpu.memory_space<semaphore_mem>> -> memref<1x!tpu.dma_semaphore, #tpu.memory_space<semaphore_mem>>
        %dma_start3A_34 = tpu.memref_squeeze %dma_start3A : memref<1x!tpu.dma_semaphore, #tpu.memory_space<semaphore_mem>> -> memref<!tpu.dma_semaphore, #tpu.memory_space<semaphore_mem>>
        %dma_start3A_35 = arith.constant 0 : i32
        %dma_start3A_36 = tpu.memref_slice %arg12[%rem3A_15, %while3A_28, %dma_start3A_35] : memref<2x128x1024xf32, #tpu.memory_space<vmem>> -> memref<1x1x1024xf32, #tpu.memory_space<vmem>>
        %dma_start3A_37 = tpu.memref_squeeze %dma_start3A_36 : memref<1x1x1024xf32, #tpu.memory_space<vmem>> -> memref<1x1024xf32, #tpu.memory_space<vmem>>
        %dma_start3A_38 = arith.constant 0 : i32
        %dma_start3A_39 = tpu.memref_slice %arg6[%min3A_33, %dma_start3A_38] : memref<2048x1024xf32, #tpu.memory_space<any>> -> memref<1x1024xf32, #tpu.memory_space<any>>
        tpu.enqueue_dma source(%dma_start3A_39 : memref<1x1024xf32, #tpu.memory_space<any>>) target(%dma_start3A_37 : memref<1x1024xf32, #tpu.memory_space<vmem>>) target_semaphore(%dma_start3A_34 : memref<!tpu.dma_semaphore, #tpu.memory_space<semaphore_mem>>)
      }
    } else {
    }
    %get3A = arith.index_cast %arg0 : i32 to index
    %get3A_7 = memref.load %arg2[%get3A] : memref<96xi32, #tpu.memory_space<smem>>
    %ne3A = arith.constant 0 : i32
    %ne3A_8 = arith.cmpi ne, %get3A_7, %ne3A : i32
    %convert_element_type3A_9 = arith.extui %ne3A_8 : i1 to i32
    %cond3A_10 = arith.constant 0 : i32
    %cond3A_11 = arith.cmpi ne, %convert_element_type3A_9, %cond3A_10 : i32
    scf.if %cond3A_11 {
      %rem3A = arith.constant 2 : i32
      %rem3A_12 = arith.remsi %arg0, %rem3A : i32
      %get3A_13 = arith.index_cast %arg0 : i32 to index
      %get3A_14 = memref.load %arg4[%get3A_13] : memref<96xi32, #tpu.memory_space<smem>>
      %jit3A = arith.constant 8 : i32
      %div3A = arith.divsi %get3A_14, %jit3A : i32
      %sign3A = arith.constant 0 : i32
      %sign3A_15 = arith.cmpi sgt, %get3A_14, %sign3A : i32
      %sign3A_16 = arith.extui %sign3A_15 : i1 to i32
      %sign3A_17 = arith.constant 0 : i32
      %sign3A_18 = arith.cmpi slt, %get3A_14, %sign3A_17 : i32
      %sign3A_19 = arith.extui %sign3A_18 : i1 to i32
      %sign3A_20 = arith.subi %sign3A_16, %sign3A_19 : i32
      %sign3A_21 = arith.constant 0 : i32
      %sign3A_22 = arith.cmpi sgt, %jit3A, %sign3A_21 : i32
      %sign3A_23 = arith.extui %sign3A_22 : i1 to i32
      %sign3A_24 = arith.constant 0 : i32
      %sign3A_25 = arith.cmpi slt, %jit3A, %sign3A_24 : i32
      %sign3A_26 = arith.extui %sign3A_25 : i1 to i32
      %sign3A_27 = arith.subi %sign3A_23, %sign3A_26 : i32
      %ne3A_28 = arith.cmpi ne, %sign3A_20, %sign3A_27 : i32
      %rem3A_29 = arith.remsi %get3A_14, %jit3A : i32
      %ne3A_30 = arith.constant 0 : i32
      %ne3A_31 = arith.cmpi ne, %rem3A_29, %ne3A_30 : i32
      %and3A = arith.andi %ne3A_28, %ne3A_31 : i1
      %sub3A = arith.constant 1 : i32
      %sub3A_32 = arith.subi %div3A, %sub3A : i32
      %select_n3A = arith.select %and3A, %sub3A_32, %div3A : i32
      %while3A = arith.constant 0 : i32
      %while3A_33 = arith.constant 0 : i32
      %while3A_34 = arith.subi %select_n3A, %while3A_33 : i32
      %while3A_35 = arith.addi %while3A_33, %while3A_34 : i32
      %while3A_36 = arith.constant 1 : i32
      %while3A_37 = arith.divsi %while3A_34, %while3A_36 : i32
      %while3A_38 = arith.muli %while3A_37, %while3A_36 : i32
      %while3A_39 = arith.addi %while3A_33, %while3A_38 : i32
      %while3A_40 = arith.constant 1 : i32
      scf.for %while3A_82 = %while3A_33 to %while3A_39 step %while3A_40  : i32 {
        %dma_wait3A = tpu.memref_slice %arg13[%rem3A_12] : memref<2x!tpu.dma_semaphore, #tpu.memory_space<semaphore_mem>> -> memref<1x!tpu.dma_semaphore, #tpu.memory_space<semaphore_mem>>
        %dma_wait3A_83 = tpu.memref_squeeze %dma_wait3A : memref<1x!tpu.dma_semaphore, #tpu.memory_space<semaphore_mem>> -> memref<!tpu.dma_semaphore, #tpu.memory_space<semaphore_mem>>
        %dma_wait3A_84 = arith.constant 0 : i32
        %dma_wait3A_85 = arith.constant 0 : i32
        %dma_wait3A_86 = tpu.memref_slice %arg12[%rem3A_12, %dma_wait3A_84, %dma_wait3A_85] : memref<2x128x1024xf32, #tpu.memory_space<vmem>> -> memref<1x8x1024xf32, #tpu.memory_space<vmem>>
        %dma_wait3A_87 = tpu.memref_squeeze %dma_wait3A_86 : memref<1x8x1024xf32, #tpu.memory_space<vmem>> -> memref<8x1024xf32, #tpu.memory_space<vmem>>
        %dma_wait3A_88 = arith.constant 0 : i32
        %dma_wait3A_89 = arith.constant 0 : i32
        %dma_wait3A_90 = tpu.memref_slice %arg6[%dma_wait3A_88, %dma_wait3A_89] : memref<2048x1024xf32, #tpu.memory_space<any>> -> memref<8x1024xf32, #tpu.memory_space<any>>
        tpu.wait_dma2 semaphore(%dma_wait3A_83 : memref<!tpu.dma_semaphore, #tpu.memory_space<semaphore_mem>>) src(%dma_wait3A_90 : memref<8x1024xf32, #tpu.memory_space<any>>) dst(%dma_wait3A_87 : memref<8x1024xf32, #tpu.memory_space<vmem>>)
      }
      %while3A_41 = arith.constant 1 : i32
      scf.for %while3A_82 = %while3A_39 to %while3A_35 step %while3A_41  : i32 {
        %dma_wait3A = tpu.memref_slice %arg13[%rem3A_12] : memref<2x!tpu.dma_semaphore, #tpu.memory_space<semaphore_mem>> -> memref<1x!tpu.dma_semaphore, #tpu.memory_space<semaphore_mem>>
        %dma_wait3A_83 = tpu.memref_squeeze %dma_wait3A : memref<1x!tpu.dma_semaphore, #tpu.memory_space<semaphore_mem>> -> memref<!tpu.dma_semaphore, #tpu.memory_space<semaphore_mem>>
        %dma_wait3A_84 = arith.constant 0 : i32
        %dma_wait3A_85 = arith.constant 0 : i32
        %dma_wait3A_86 = tpu.memref_slice %arg12[%rem3A_12, %dma_wait3A_84, %dma_wait3A_85] : memref<2x128x1024xf32, #tpu.memory_space<vmem>> -> memref<1x8x1024xf32, #tpu.memory_space<vmem>>
        %dma_wait3A_87 = tpu.memref_squeeze %dma_wait3A_86 : memref<1x8x1024xf32, #tpu.memory_space<vmem>> -> memref<8x1024xf32, #tpu.memory_space<vmem>>
        %dma_wait3A_88 = arith.constant 0 : i32
        %dma_wait3A_89 = arith.constant 0 : i32
        %dma_wait3A_90 = tpu.memref_slice %arg6[%dma_wait3A_88, %dma_wait3A_89] : memref<2048x1024xf32, #tpu.memory_space<any>> -> memref<8x1024xf32, #tpu.memory_space<any>>
        tpu.wait_dma2 semaphore(%dma_wait3A_83 : memref<!tpu.dma_semaphore, #tpu.memory_space<semaphore_mem>>) src(%dma_wait3A_90 : memref<8x1024xf32, #tpu.memory_space<any>>) dst(%dma_wait3A_87 : memref<8x1024xf32, #tpu.memory_space<vmem>>)
      }
      %get3A_42 = arith.index_cast %rem3A_12 : i32 to index
      %get3A_43 = arith.constant 0 : index
      %get3A_44 = arith.constant 0 : index
      %get3A_45 = vector.load %arg12[%get3A_42, %get3A_43, %get3A_44] : memref<2x128x1024xf32, #tpu.memory_space<vmem>>, vector<1x128x1024xf32>
      %get3A_46 = vector.shape_cast %get3A_45 : vector<1x128x1024xf32> to vector<128x1024xf32>
      %get3A_47 = arith.constant 0 : index
      %get3A_48 = arith.constant 0 : index
      %get3A_49 = arith.constant 0 : index
      %get3A_50 = vector.load %arg7[%get3A_47, %get3A_48, %get3A_49] : memref<1x1024x512xf32, #tpu.memory_space<vmem>>, vector<1x1024x512xf32>
      %get3A_51 = vector.shape_cast %get3A_50 : vector<1x1024x512xf32> to vector<1024x512xf32>
      %dot_general3A = arith.constant dense<0.000000e+00> : vector<128x512xf32>
      %dot_general3A_52 = tpu.matmul %get3A_46, %get3A_51, %dot_general3A {dimension_numbers = #tpu.dot_dimension_numbers<[1], [0], [0], [1], [0, 0, 1, 1], [], []>, transpose_lhs_hint = false} : vector<128x1024xf32>, vector<1024x512xf32>, vector<128x512xf32> -> vector<128x512xf32>
      %logistic3A = arith.negf %dot_general3A_52 : vector<128x512xf32>
      %logistic3A_53 = math.exp %logistic3A : vector<128x512xf32>
      %logistic3A_54 = arith.constant 1.000000e+00 : f32
      %logistic3A_55 = vector.broadcast %logistic3A_54 : f32 to vector<128x512xf32>
      %logistic3A_56 = arith.addf %logistic3A_55, %logistic3A_53 : vector<128x512xf32>
      %logistic3A_57 = arith.divf %logistic3A_55, %logistic3A_56 : vector<128x512xf32>
      %mul3A = arith.mulf %dot_general3A_52, %logistic3A_57 : vector<128x512xf32>
      %get3A_58 = arith.constant 0 : index
      %get3A_59 = arith.constant 0 : index
      %get3A_60 = arith.constant 0 : index
      %get3A_61 = vector.load %arg8[%get3A_58, %get3A_59, %get3A_60] : memref<1x1024x512xf32, #tpu.memory_space<vmem>>, vector<1x1024x512xf32>
      %get3A_62 = vector.shape_cast %get3A_61 : vector<1x1024x512xf32> to vector<1024x512xf32>
      %dot_general3A_63 = arith.constant dense<0.000000e+00> : vector<128x512xf32>
      %dot_general3A_64 = tpu.matmul %get3A_46, %get3A_62, %dot_general3A_63 {dimension_numbers = #tpu.dot_dimension_numbers<[1], [0], [0], [1], [0, 0, 1, 1], [], []>, transpose_lhs_hint = false} : vector<128x1024xf32>, vector<1024x512xf32>, vector<128x512xf32> -> vector<128x512xf32>
      %mul3A_65 = arith.mulf %mul3A, %dot_general3A_64 : vector<128x512xf32>
      %get3A_66 = arith.constant 0 : index
      %get3A_67 = arith.constant 0 : index
      %get3A_68 = arith.constant 0 : index
      %get3A_69 = vector.load %arg9[%get3A_66, %get3A_67, %get3A_68] : memref<1x512x1024xf32, #tpu.memory_space<vmem>>, vector<1x512x1024xf32>
      %get3A_70 = vector.shape_cast %get3A_69 : vector<1x512x1024xf32> to vector<512x1024xf32>
      %dot_general3A_71 = arith.constant dense<0.000000e+00> : vector<128x1024xf32>
      %dot_general3A_72 = tpu.matmul %mul3A_65, %get3A_70, %dot_general3A_71 {dimension_numbers = #tpu.dot_dimension_numbers<[1], [0], [0], [1], [0, 0, 1, 1], [], []>, transpose_lhs_hint = false} : vector<128x512xf32>, vector<512x1024xf32>, vector<128x1024xf32> -> vector<128x1024xf32>
      %get3A_73 = arith.constant 0 : index
      %get3A_74 = arith.constant 0 : index
      %get3A_75 = arith.constant 0 : index
      %get3A_76 = vector.load %arg10[%get3A_73, %get3A_74, %get3A_75] : memref<1x1x128xf32, #tpu.memory_space<vmem>>, vector<1x1x128xf32>
      %get3A_77 = vector.shape_cast %get3A_76 : vector<1x1x128xf32> to vector<128xf32>
      %broadcast_in_dim3A = vector.shape_cast %get3A_77 : vector<128xf32> to vector<128x1xf32>
      %mul3A_78 = vector.broadcast %broadcast_in_dim3A : vector<128x1xf32> to vector<128x1024xf32>
      %mul3A_79 = arith.mulf %dot_general3A_72, %mul3A_78 : vector<128x1024xf32>
      %swap3A = arith.constant 0 : index
      %swap3A_80 = arith.constant 0 : index
      %swap3A_81 = vector.load %arg11[%swap3A, %swap3A_80] : memref<128x1024xf32, #tpu.memory_space<vmem>>, vector<128x1024xf32>
      tpu.vector_store %arg11[%swap3A, %swap3A_80], %mul3A_79 {strides = array<i32>} : memref<128x1024xf32, #tpu.memory_space<vmem>>, vector<128x1024xf32>,
    } else {
    }
    return
  }
  func.func @transform_1(%arg0: i32, %arg1: memref<96xi32, #tpu.memory_space<smem>>, %arg2: memref<96xi32, #tpu.memory_space<smem>>, %arg3: memref<12288xi32, #tpu.memory_space<smem>>, %arg4: memref<96xi32, #tpu.memory_space<smem>>, %arg5: memref<96xi32, #tpu.memory_space<smem>>) -> (i32, i32, i32) {
    %get3A = arith.index_cast %arg0 : i32 to index
    %get3A_0 = memref.load %arg1[%get3A] : memref<96xi32, #tpu.memory_space<smem>>
    %c0_i32 = arith.constant 0 : i32
    %c0_i32_1 = arith.constant 0 : i32
    %c0_i32_2 = arith.constant 0 : i32
    return %get3A_0, %c0_i32, %c0_i32_1 : i32, i32, i32
  }
  func.func @transform_2(%arg0: i32, %arg1: memref<96xi32, #tpu.memory_space<smem>>, %arg2: memref<96xi32, #tpu.memory_space<smem>>, %arg3: memref<12288xi32, #tpu.memory_space<smem>>, %arg4: memref<96xi32, #tpu.memory_space<smem>>, %arg5: memref<96xi32, #tpu.memory_space<smem>>) -> (i32, i32, i32) {
    %get3A = arith.index_cast %arg0 : i32 to index
    %get3A_0 = memref.load %arg1[%get3A] : memref<96xi32, #tpu.memory_space<smem>>
    %c0_i32 = arith.constant 0 : i32
    %c0_i32_1 = arith.constant 0 : i32
    %c0_i32_2 = arith.constant 0 : i32
    return %get3A_0, %c0_i32, %c0_i32_1 : i32, i32, i32
  }
  func.func @transform_3(%arg0: i32, %arg1: memref<96xi32, #tpu.memory_space<smem>>, %arg2: memref<96xi32, #tpu.memory_space<smem>>, %arg3: memref<12288xi32, #tpu.memory_space<smem>>, %arg4: memref<96xi32, #tpu.memory_space<smem>>, %arg5: memref<96xi32, #tpu.memory_space<smem>>) -> (i32, i32, i32) {
    %get3A = arith.index_cast %arg0 : i32 to index
    %get3A_0 = memref.load %arg1[%get3A] : memref<96xi32, #tpu.memory_space<smem>>
    %c0_i32 = arith.constant 0 : i32
    %c0_i32_1 = arith.constant 0 : i32
    %c0_i32_2 = arith.constant 0 : i32
    return %get3A_0, %c0_i32, %c0_i32_1 : i32, i32, i32
  }
  func.func @transform_4(%arg0: i32, %arg1: memref<96xi32, #tpu.memory_space<smem>>, %arg2: memref<96xi32, #tpu.memory_space<smem>>, %arg3: memref<12288xi32, #tpu.memory_space<smem>>, %arg4: memref<96xi32, #tpu.memory_space<smem>>, %arg5: memref<96xi32, #tpu.memory_space<smem>>) -> (i32, i32, i32) {
    %c0_i32 = arith.constant 0 : i32
    %c0_i32_0 = arith.constant 0 : i32
    %c0_i32_1 = arith.constant 0 : i32
    return %arg0, %c0_i32, %c0_i32_0 : i32, i32, i32
  }
  func.func @transform_5(%arg0: i32, %arg1: memref<96xi32, #tpu.memory_space<smem>>, %arg2: memref<96xi32, #tpu.memory_space<smem>>, %arg3: memref<12288xi32, #tpu.memory_space<smem>>, %arg4: memref<96xi32, #tpu.memory_space<smem>>, %arg5: memref<96xi32, #tpu.memory_space<smem>>) -> (i32, i32) {
    %get3A = arith.index_cast %arg0 : i32 to index
    %get3A_0 = memref.load %arg5[%get3A] : memref<96xi32, #tpu.memory_space<smem>>
    %c0_i32 = arith.constant 0 : i32
    %c0_i32_1 = arith.constant 0 : i32
    return %get3A_0, %c0_i32 : i32, i32
  }
}

</mosaic_0001>

<sc_bundles>
// kernel: kernel.10.cloned.1.call-start
scs
__scs_entry_jumppad:
0x0: {  	(pc) =	sbr.rel $0x88, $3  }
0x1: {  	(tag) =	ssettag $0x0;
	lr =	simm.s32 $0x1  }
0x2: {  	[smem:$0x3F99] =	sst lr;
	_ =	strace $0xD0000000  }
0x3: {  	_ = 	snop  }
0x4: {  	_ = 	snop  }
0x5: {  	_ = 	snop  }
0x6: {  	_ = 	snop  }
0x7: {  	_ = 	snop  }
__scs_overlays_trampoline_lowered:
0x8: {  	[smem:$0x3FA8] =	sst s0  }
0x9: {  	[smem:$0x3FA9] =	sst s1  }
0xa: {  	[smem:$0x3FAA] =	sst s2  }
0xb: {  	[smem:$0x3FAB] =	sst s3  }
0xc: {  	[smem:$0x3FAC] =	sst s4  }
0xd: {  	[smem:$0x3FAD] =	sst s5  }
0xe: {  	[smem:$0x3FAE] =	sst s6  }
0xf: {  	[smem:$0x3FAF] =	sst s7  }
0x10: {  	[smem:$0x3FB0] =	sst s8  }
0x11: {  	[smem:$0x3FB1] =	sst s9;
	s0 =	simm.s32 @!p0 $0x0  }
0x12: {  	s1 =	sld [smem:$0x3F97];
	s0 =	simm.s32 @p0 $0x1  }
0x13: {  	[smem:$0x3FB2] =	sst s0;
	s0 =	simm.s32 @!p1 $0x0  }
0x14: {  	s2 =	sld [smem:$0x3F96];
	s0 =	simm.s32 @p1 $0x1  }
0x15: {  	[smem:$0x3FB3] =	sst s0;
	s0 =	simm.s32 @!p2 $0x0  }
0x16: {  	s3 =	sld [smem:$0x3FDB];
	s0 =	simm.s32 @p2 $0x1  }
0x17: {  	s4 =	simm.s32 $0x1BF5;
	[smem:$0x3FB5] =	sst s0  }
0x18: {  	s0 =	sld [smem:$0x3F98];
	_ =	swait.ge [sflag:s4], $0x0  }
0x19: {  	s7 =	sld [smem:$0x3F99]  }
0x1a: {  	s8 =	sadd.s32 $0xFFFFE003, lr  }
0x1b: {  	s9 =	sadd.s32 $0xFFFFFEF7, lr;
	s5 =	simm.s32 $0xFFFFFFFF;
	p2 =	slt.u32 s8, $0xFFFFF086  }
0x1c: {  	p1 =	slt.u32 s9, $0xF7A;
	s5 =	simm.s32 @!p2 $0x0  }
0x1d: {  	s5 =	simm.s32 @p1 $0x1;
	p0 =	seq.s32 s7, s2  }
0x1e: {  	s7 =	smul.u32 @!p0 $0xF7A, s2;
	p2 =	seq.s32 @!p0 s5, $0x0  }
0x1f: {  	s9 =	smul.u32 $0xF7A, s1;
	s8 =	simm.s32 @!p0 $0x1BF5;
	p2 =	por !p2, p0  }
0x20: {  	[sflag:s8] =	ssyncset.s32 @!p0 $0xFFFFF086;
	s6 =	sadd.s32 @!p0 s3, s7;
	s7 =	simm.s32 @!p0 $0x108  }
0x21: {  	s3 =	sadd.s32 s3, s9;
	s6 =	sadd.s32 @!p0 $0x88, s6;
	s7 =	simm.s32 @p2 $0x1082  }
0x22: {  	[simem:s7], [sflag:s8] =	dma.local @!p0 [hbm:s6], $0xF7A  }
0x23: {  	s9 =	sor.u32 $0xD0000000, s2;
	s6 =	simm.s32 $0x108;
	_ =	swait.ge @!p0 [sflag:s8], $0x0  }
0x24: {  	s3 =	sadd.s32 $0x88, s3;
	s6 =	simm.s32 @!p1 $0x1082;
	[sflag:s4] =	ssyncset.s32 $0xFFFFF086  }
0x25: {  	[simem:s6], [sflag:s4] =	dma.local [hbm:s3], $0xF7A  }
0x26: {  	[smem:$0x3F99] =	sst s1;
	(tag) =	ssettag s2;
	_ =	strace s9  }
0x27: {  	s1 =	sld [smem:$0x3FA9]  }
0x28: {  	s2 =	sld [smem:$0x3FAA]  }
0x29: {  	s4 =	sld [smem:$0x3FAC]  }
0x2a: {  	p0 =	seq.s32 s5, $0x0;
	s5 =	sld [smem:$0x3FAD]  }
0x2b: {  	s6 =	sld [smem:$0x3FAE]  }
0x2c: {  	s7 =	sld [smem:$0x3FAF]  }
0x2d: {  	s3 =	simm.s32 $0x108;
	s8 =	sld [smem:$0x3FB0]  }
0x2e: {  	s3 =	simm.s32 @!p0 $0x1082;
	s9 =	sld [smem:$0x3FB1]  }
0x2f: {  	lr =	sadd.s32 s0, s3;
	s0 =	sld [smem:$0x3FA8]  }
0x30: {  	s3 =	sld [smem:$0x3FAB]  }
0x31: {  	[smem:$0x3FB4] =	sst s10  }
0x32: {  	s10 =	sld [smem:$0x3FB2];
	_ =	sdelay $0x3  }
0x33: {  	p0 =	seq.s32 s10, $0x1;
	s10 =	sld [smem:$0x3FB4];
	_ =	sdelay $0x3  }
0x34: {  	[smem:$0x3FB4] =	sst s10  }
0x35: {  	s10 =	sld [smem:$0x3FB3];
	_ =	sdelay $0x3  }
0x36: {  	p1 =	seq.s32 s10, $0x1;
	s10 =	sld [smem:$0x3FB4];
	_ =	sdelay $0x3  }
0x37: {  	[smem:$0x3FB4] =	sst s10  }
0x38: {  	s10 =	sld [smem:$0x3FB5]  }
0x39: {  	_ = 	snop;
	(pc) =	sbr.ind lr, $3  }
0x3a: {  	_ = 	snop  }
0x3b: {  	_ = 	snop  }
0x3c: {  	p2 =	seq.s32 s10, $0x1;
	s10 =	sld [smem:$0x3FB4]  }
0x3d: {  	_ =	shalt  }
0x3e: {  	_ =	shalt  }
0x3f: {  	_ =	shalt  }
0x40: {  	_ =	shalt  }
0x41: {  	_ =	shalt  }
0x42: {  	_ =	shalt  }
0x43: {  	_ =	shalt  }
0x44: {  	_ =	shalt  }
0x45: {  	_ =	shalt  }
0x46: {  	_ =	shalt  }
0x47: {  	_ =	shalt  }
0x48: {  	_ =	shalt  }
0x49: {  	_ =	shalt  }
0x4a: {  	_ =	shalt  }
0x4b: {  	_ =	shalt  }
0x4c: {  	_ =	shalt  }
0x4d: {  	_ =	shalt  }
0x4e: {  	_ =	shalt  }
0x4f: {  	_ =	shalt  }
0x50: {  	_ =	shalt  }
0x51: {  	_ =	shalt  }
0x52: {  	_ =	shalt  }
0x53: {  	_ =	shalt  }
0x54: {  	_ =	shalt  }
0x55: {  	_ =	shalt  }
0x56: {  	_ =	shalt  }
0x57: {  	_ =	shalt  }
0x58: {  	_ =	shalt  }
0x59: {  	_ =	shalt  }
0x5a: {  	_ =	shalt  }
0x5b: {  	_ =	shalt  }
0x5c: {  	_ =	shalt  }
0x5d: {  	_ =	shalt  }
0x5e: {  	_ =	shalt  }
0x5f: {  	_ =	shalt  }
0x60: {  	_ =	shalt  }
0x61: {  	_ =	shalt  }
0x62: {  	_ =	shalt  }
0x63: {  	_ =	shalt  }
0x64: {  	_ =	shalt  }
0x65: {  	_ =	shalt  }
0x66: {  	_ =	shalt  }
0x67: {  	_ =	shalt  }
0x68: {  	_ =	shalt  }
0x69: {  	_ =	shalt  }
0x6a: {  	_ =	shalt  }
0x6b: {  	_ =	shalt  }
0x6c: {  	_ =	shalt  }
0x6d: {  	_ =	shalt  }
0x6e: {  	_ =	shalt  }
0x6f: {  	_ =	shalt  }
0x70: {  	_ =	shalt  }
0x71: {  	_ =	shalt  }
0x72: {  	_ =	shalt  }
0x73: {  	_ =	shalt  }
0x74: {  	_ =	shalt  }
0x75: {  	_ =	shalt  }
0x76: {  	_ =	shalt  }
0x77: {  	_ =	shalt  }
0x78: {  	_ =	shalt  }
0x79: {  	_ =	shalt  }
0x7a: {  	_ =	shalt  }
0x7b: {  	_ =	shalt  }
0x7c: {  	_ =	shalt  }
0x7d: {  	_ =	shalt  }
0x7e: {  	_ =	shalt  }
0x7f: {  	_ =	shalt  }
0x80: {  	_ =	shalt  }
0x81: {  	_ =	shalt  }
0x82: {  	_ =	shalt  }
0x83: {  	_ =	shalt  }
0x84: {  	_ =	shalt  }
0x85: {  	_ =	shalt  }
0x86: {  	_ =	shalt  }
0x87: {  	_ =	shalt  }
.Lfunc_end0:
.L_simem_size_0:
called_computation.1_lowered:
.L_overlay_start_0:
0x88: {  	s2 =	sld [smem:$0x3FD9]  }
0x89: {  	s3 =	sld [smem:$0x3FFE];
	_ =	sdelay $0x1  }
0x8a: {  	s1 =	srdreg.scid  }
0x8b: {  	s0 =	sand.u32 $0x1, s1  }
0x8c: {  	s17 =	sshll.u32 s0, $0xA;
	s2 =	sadd.s32 s3, s2  }
0x8d: {  	s2 =	sadd.s32 s2, s17  }
0x8e: {  	[smem:$0x3FC0] =	sst s2  }
0x8f: {  	_ = 	snop  }
0x90: {  	s2 =	sld [smem:$0x3FD0];
	(tm) =	ssettm $0x1  }
0x91: {  	s18 =	sld [smem:$0x3FFB];
	_ =	sdelay $0x3  }
0x92: {  	_ =	strace s18  }
0x93: {  	s3 =	sld [smem:$0x3FFC];
	_ =	sdelay $0x3  }
0x94: {  	_ =	strace s3  }
0x95: {  	s3 =	sld [smem:$0x3FFD];
	_ =	sdelay $0x3  }
0x96: {  	_ =	strace s3  }
0x97: {  	_ =	strace $0x8FFFFFFF  }
0x98: {  	s19 =	sld [smem:$0x3FDB];
	_ =	sdelay $0x1  }
0x99: {  	s4 =	simm.s32 $_scs_section_size  }
0x9a: {  	s5 =	simm.s32 $_size__tile_overlayer_lowered;
	s6 =	simm.s32 $_tile_overlayer_lowered  }
0x9b: {  	s22 =	simm.s32 $0x1BFF;
	s21 =	sshll.u32 s6, $0x1;
	s3 =	sadd.s32 s4, s19  }
0x9c: {  	s7 =	simm.s32 $0x0;
	s20 =	sshll.u32 s5, $0x1;
	s5 =	sadd.s32 s21, s3  }
0x9d: {  	[timem:s7], [sflag:s22] =	dma.local [hbm:s5], s20  }
0x9e: {  	_ =	swait.ge [sflag:s22], s20  }
0x9f: {  	s4 =	ssub.s32 $0x0, s20;
	[sflag:s22] =	ssyncset.done $0x0  }
0xa0: {  	[sflag:s22] =	ssyncadd.s32 s4;
	_ =	sdelay $0x1  }
0xa1: {  	s23 =	simm.s32 $0x1B8B  }
0xa2: {  	_ =	swait.ge [sflag:s23], $0x1  }
0xa3: {  	[sflag:s23] =	ssyncset.done $0x0  }
0xa4: {  	s25 =	simm.s32 $0x1B8E;
	s24 =	sld [smem:$0x3FFE];
	[sflag:s23] =	ssyncadd.s32 $0xFFFFFFFF  }
0xa5: {  	s26 =	simm.s32 $execute0_lowered;
	[smem:$0x3FD2] =	sst s25  }
0xa6: {  	s5 =	sshll.u32 s26, $0x1;
	_ =	strace $0x80000049;
	[dreg:$0x1] =	wrdreg $0xFFFFFFFF  }
0xa7: {  	s28 =	simm.s32 $_size_execute0_lowered;
	s3 =	sadd.s32 s3, s5;
	[dreg:$0x0] =	wrdreg $0x0  }
0xa8: {  	s5 =	sshll.u32 s28, $0x1;
	[dreg:$0x2] =	wrdreg s3  }
0xa9: {  	[dreg:$0x3] =	wrdreg s5  }
0xaa: {  	[dreg:$0x4] =	wrdreg $0xC0  }
0xab: {  	_ =	task [dreg:s7], $0x5FFFF  }
0xac: {  	[dreg:$0x1] =	wrdreg $0xFFFFFFFF  }
0xad: {  	[dreg:$0x0] =	wrdreg $0x60  }
0xae: {  	[dreg:$0x2] =	wrdreg s24  }
0xaf: {  	[dreg:$0x3] =	wrdreg s2  }
0xb0: {  	[dreg:$0x4] =	wrdreg $0x9  }
0xb1: {  	_ =	task.clear_ibuf [dreg:s7], $0x5FFFF;
	_ =	strace $0x90000049  }
0xb2: {  	s29 =	simm.s32 $0x9;
	_ =	strace $0x8000004B  }
0xb3: {  	_ =	swait.ge [sflag:s29], $0x1  }
0xb4: {  	[sflag:s29] =	ssyncadd.s32 $0xFFFFFFFF  }
0xb5: {  	_ =	strace $0x9000004B  }
0xb6: {  	_ =	sfence  }
0xb7: {  	s30 =	sld [smem:$0x0];
	_ =	sdelay $0x2  }
0xb8: {  	s31 =	sshll.u32 s1, $0xD;
	s1 =	sshrl.u32 s1, $0x2  }
0xb9: {  	s3 =	sand.u32 $0x4000, s31;
	s1 =	sadd.s32 s1, s30  }
0xba: {  	s0 =	sor.u32 s3, s0;
	s1 =	sshll.u32 s1, $0x11  }
0xbb: {  	s0 =	sor.u32 s1, s0  }
0xbc: {  	s0 =	sadd.s32 $0x8F2B, s0  }
0xbd: {  	[sflag:s0] =	ssyncadd.remote.s32 $0x1  }
0xbe: {  	_ =	sfence.sel $0xFFFF  }
0xbf: {  	[dreg:$0x0] =	wrdreg $0xFFFFFFFF;
	(pc) =	sbr.abs _section_cstart, $3  }
0xc0: {  	[dreg:$0x1] =	wrdreg $0xFFFFFFFF  }
0xc1: {  	_ =	task.clear_ibuf [dreg:s7], $0x2FFFF;
	_ =	strace $0x9FFFFFFF  }
0xc2: {  	(tm) =	ssettm $0x7FFFFFFF  }
0xc3: {  	_ =	shalt  }
tec
execute0_lowered:
.L_overlay_start_1:
0x0: {  	(tag) =	ssettag $0x1  }
0x1: {  	s0 =	rddreg [dreg:$0x0];
	s1 =	simm.s32 $0x0  }
0x2: {  	s26 =	srdreg.scid;
	s8 =	stileid.u32;
	s13 =	simm.s32 $0x2  }
0x3: {  	s15 =	simm.s32 $0x100;
	s17 =	simm.s32 $0xB100;
	s18 =	simm.s32 $0xB900  }
0x4: {  	s19 =	simm.s32 $0xC100;
	s20 =	simm.s32 $0xC900;
	s21 =	simm.s32 $0xD100  }
0x5: {  	s22 =	simm.s32 $0xD900;
	s23 =	simm.s32 $0xE100;
	s24 =	simm.s32 $0xE900  }
0x6: {  	s25 =	simm.s32 $0xF100;
	s28 =	simm.s32 $0x10100;
	s29 =	simm.s32 $0x0  }
0x7: {  	[smem:$0x7FF] =	sst s1;
	s3 =	sadd.s32 $0x48200, s0;
	s1 =	sand.u32 $0x1, s26  }
0x8: {  	s5 =	sadd.s32 $0x8200, s0;
	s6 =	sadd.s32 $0xC00, s0;
	s7 =	sadd.s32 $0xA00, s0  }
0x9: {  	s30 =	sshll.u32 s8, $0x7;
	s9 =	sadd.s32 $0x48300, s0;
	s2 =	ssub.s32 $0x2, s1  }
0xa: {  	s10 =	sadd.s32 $0x48400, s0;
	s11 =	sadd.s32 $0x48500, s0;
	s4 =	sshrl.u32 s2, $0x1  }
0xb: {  	v2 =	vlaneseq.u32;
	s0 =	simm.s32 $0x1;
	s26 =	simm.s32 $0xF900;
	s2 =	ssub.s32 s2, s4  }
0xc: {  	vm0 =	vmmov $0xffff;
	v1 =	vshrl.u32 v2, $0x3;
	_ =	strace $0x8000004A;
	s1 =	sshll.u32 s1, $0x6;
	s31 =	smax.u32 s2, $0x1  }
0xd: {  	v0 =	vand.u32 $0x7, v2;
	v2 =	vor.u32 $0x8, v2;
	v1 =	vmul.u32 $0x8, v1;
	s8 =	sor.u32 s1, s30;
	s2 =	simm.s32 $0x0;
	[dreg:$0x3] =	wrdreg s31  }
.LBB2_1:
0xe: {  	[dreg:$0x4] =	wrdreg s2;
	p0 =	por $0x1, $0x1;
	s1 =	simm.s32 $0x0  }
.LBB2_2:
0xf: {  	s30 =	sor.u32 s8, s1  }
0x10: {  	s1 =	sshrl.u32 s30, $0x3  }
0x11: {  	s2 =	sadd.s32 s6, s1  }
0x12: {  	[tilespmem:s29], [sflag:$0x2] =	stream.linear.gather [hbm4b:s2+s29], $0x20, $0x38;
	[tilespmem:$0x18100] =	vst v63  }
0x13: {  	_ =	swait.ge [sflag:s13], $0x20  }
0x14: {  	[sflag:s13] =	ssyncset.done $0x0  }
0x15: {  	s12 =	simm.s32 $0x80;
	s1 =	sadd.s32 s7, s1;
	[sflag:s13] =	ssyncadd.s32 $0xFFFFFFE0  }
0x16: {  	[tilespmem:s12], [sflag:$0x2] =	stream.linear.gather [hbm4b:s1+s29], $0x20, $0x38;
	[tilespmem:$0x18100] =	vst v63  }
0x17: {  	_ =	swait.ge [sflag:s13], $0x20  }
0x18: {  	[sflag:s13] =	ssyncset.done $0x0  }
0x19: {  	[sflag:s13] =	ssyncadd.s32 $0xFFFFFFE0  }
0x1a: {  	v3 =	vld [tilespmem:$0x0];
	_ =	sdelay $0x4  }
0x1b: {  	v4 =	vshll.u32 v3, $0x3  }
0x1c: {  	v3 =	vand.u32 $0x7, v3;
	v4 =	vand.u32 $0xFFFFFFC0, v4  }
0x1d: {  	v3 =	vor.u32 v3, v4  }
0x1e: {  	v4 =	vperm.xlane v3, v0;
	_ =	sdelay $0x1  }
0x1f: {  	v4 =	vadd.s32 v1, v4;
	_ =	sdelay $0x4  }
0x20: {  	[tilespmem:s15], [sflag:$0x1] =	stream.indirect_vreg.gather [hbm4b:s3+s29], $0x80, v4, vm0, $0xb8;
	[tilespmem:$0x18100] =	vst v63  }
0x21: {  	s14 =	simm.s32 $0x900;
	v3 =	vperm.xlane v3, v2  }
0x22: {  	[tilespmem:s14], [sflag:$0x1] =	stream.indirect_vreg.gather [hbm4b:s9+s29], $0x80, v4, vm0, $0xb8;
	[tilespmem:$0x18100] =	vst v63  }
0x23: {  	s16 =	simm.s32 $0x1100;
	v3 =	vadd.s32 v1, v3  }
0x24: {  	[tilespmem:s16], [sflag:$0x1] =	stream.indirect_vreg.gather [hbm4b:s10+s29], $0x80, v4, vm0, $0xb8;
	[tilespmem:$0x18100] =	vst v63  }
0x25: {  	s2 =	simm.s32 $0x1900  }
0x26: {  	[tilespmem:s2], [sflag:$0x1] =	stream.indirect_vreg.gather [hbm4b:s11+s29], $0x80, v4, vm0, $0xb8;
	[tilespmem:$0x18100] =	vst v63  }
0x27: {  	s4 =	simm.s32 $0x2100  }
0x28: {  	[tilespmem:s4], [sflag:$0x1] =	stream.indirect_vreg.gather [hbm4b:s3+s29], $0x80, v3, vm0, $0xb8;
	[tilespmem:$0x18100] =	vst v63  }
0x29: {  	s12 =	simm.s32 $0x2900  }
0x2a: {  	[tilespmem:s12], [sflag:$0x1] =	stream.indirect_vreg.gather [hbm4b:s9+s29], $0x80, v3, vm0, $0xb8;
	[tilespmem:$0x18100] =	vst v63  }
0x2b: {  	s14 =	simm.s32 $0x3100  }
0x2c: {  	[tilespmem:s14], [sflag:$0x1] =	stream.indirect_vreg.gather [hbm4b:s10+s29], $0x80, v3, vm0, $0xb8;
	[tilespmem:$0x18100] =	vst v63  }
0x2d: {  	s16 =	simm.s32 $0x3900  }
0x2e: {  	[tilespmem:s16], [sflag:$0x1] =	stream.indirect_vreg.gather [hbm4b:s11+s29], $0x80, v3, vm0, $0xb8;
	[tilespmem:$0x18100] =	vst v63  }
0x2f: {  	v3 =	vld [tilespmem:$0x10];
	_ =	sdelay $0x4  }
0x30: {  	v61 =	vshll.u32 v3, $0x3  }
0x31: {  	v3 =	vand.u32 $0x7, v3;
	v4 =	vand.u32 $0xFFFFFFC0, v61  }
0x32: {  	v3 =	vor.u32 v3, v4  }
0x33: {  	v4 =	vperm.xlane v3, v0;
	_ =	sdelay $0x1  }
0x34: {  	v4 =	vadd.s32 v1, v4;
	_ =	sdelay $0x3  }
0x35: {  	s2 =	simm.s32 $0x4100  }
0x36: {  	[tilespmem:s2], [sflag:$0x1] =	stream.indirect_vreg.gather [hbm4b:s3+s29], $0x80, v4, vm0, $0xb8;
	[tilespmem:$0x18100] =	vst v63  }
0x37: {  	s4 =	simm.s32 $0x4900;
	v3 =	vperm.xlane v3, v2  }
0x38: {  	[tilespmem:s4], [sflag:$0x1] =	stream.indirect_vreg.gather [hbm4b:s9+s29], $0x80, v4, vm0, $0xb8;
	[tilespmem:$0x18100] =	vst v63  }
0x39: {  	s12 =	simm.s32 $0x5100;
	v3 =	vadd.s32 v1, v3  }
0x3a: {  	[tilespmem:s12], [sflag:$0x1] =	stream.indirect_vreg.gather [hbm4b:s10+s29], $0x80, v4, vm0, $0xb8;
	[tilespmem:$0x18100] =	vst v63  }
0x3b: {  	s14 =	simm.s32 $0x5900  }
0x3c: {  	[tilespmem:s14], [sflag:$0x1] =	stream.indirect_vreg.gather [hbm4b:s11+s29], $0x80, v4, vm0, $0xb8;
	[tilespmem:$0x18100] =	vst v63  }
0x3d: {  	s16 =	simm.s32 $0x6100  }
0x3e: {  	[tilespmem:s16], [sflag:$0x1] =	stream.indirect_vreg.gather [hbm4b:s3+s29], $0x80, v3, vm0, $0xb8;
	[tilespmem:$0x18100] =	vst v63  }
0x3f: {  	s2 =	simm.s32 $0x6900  }
0x40: {  	[tilespmem:s2], [sflag:$0x1] =	stream.indirect_vreg.gather [hbm4b:s9+s29], $0x80, v3, vm0, $0xb8;
	[tilespmem:$0x18100] =	vst v63  }
0x41: {  	s4 =	simm.s32 $0x7100  }
0x42: {  	[tilespmem:s4], [sflag:$0x1] =	stream.indirect_vreg.gather [hbm4b:s10+s29], $0x80, v3, vm0, $0xb8;
	[tilespmem:$0x18100] =	vst v63  }
0x43: {  	s12 =	simm.s32 $0x7900  }
0x44: {  	[tilespmem:s12], [sflag:$0x1] =	stream.indirect_vreg.gather [hbm4b:s11+s29], $0x80, v3, vm0, $0xb8;
	[tilespmem:$0x18100] =	vst v63  }
0x45: {  	_ =	swait.ge [sflag:s0], $0x8000  }
0x46: {  	[sflag:s0] =	ssyncset.done $0x0  }
0x47: {  	[sflag:s0] =	ssyncadd.s32 $0xFFFF8000  }
0x48: {  	v3 =	vld [tilespmem:$0x80];
	_ =	sdelay $0x4  }
0x49: {  	v62 =	vshll.u32 v3, $0x3  }
0x4a: {  	v3 =	vand.u32 $0x7, v3;
	v4 =	vand.u32 $0xFFFFFFC0, v62  }
0x4b: {  	v3 =	vor.u32 v3, v4  }
0x4c: {  	v4 =	vperm.xlane v3, v0;
	_ =	sdelay $0x1  }
0x4d: {  	v4 =	vadd.s32 v1, v4;
	_ =	sdelay $0x3  }
0x4e: {  	s14 =	simm.s32 $0x8100  }
0x4f: {  	[tilespmem:s14], [sflag:$0x1] =	stream.indirect_vreg.gather [hbm4b:s3+s29], $0x80, v4, vm0, $0xb8;
	[tilespmem:$0x18100] =	vst v63  }
0x50: {  	s16 =	simm.s32 $0x8900;
	v3 =	vperm.xlane v3, v2  }
0x51: {  	[tilespmem:s16], [sflag:$0x1] =	stream.indirect_vreg.gather [hbm4b:s9+s29], $0x80, v4, vm0, $0xb8;
	[tilespmem:$0x18100] =	vst v63  }
0x52: {  	s2 =	simm.s32 $0x9100;
	v3 =	vadd.s32 v1, v3  }
0x53: {  	[tilespmem:s2], [sflag:$0x1] =	stream.indirect_vreg.gather [hbm4b:s10+s29], $0x80, v4, vm0, $0xb8;
	[tilespmem:$0x18100] =	vst v63  }
0x54: {  	s4 =	simm.s32 $0x9900  }
0x55: {  	[tilespmem:s4], [sflag:$0x1] =	stream.indirect_vreg.gather [hbm4b:s11+s29], $0x80, v4, vm0, $0xb8;
	[tilespmem:$0x18100] =	vst v63  }
0x56: {  	s12 =	simm.s32 $0xA100  }
0x57: {  	[tilespmem:s12], [sflag:$0x1] =	stream.indirect_vreg.gather [hbm4b:s3+s29], $0x80, v3, vm0, $0xb8;
	[tilespmem:$0x18100] =	vst v63  }
0x58: {  	s14 =	simm.s32 $0xA900  }
0x59: {  	[tilespmem:s14], [sflag:$0x1] =	stream.indirect_vreg.gather [hbm4b:s9+s29], $0x80, v3, vm0, $0xb8;
	[tilespmem:$0x18100] =	vst v63  }
0x5a: {  	_ = 	snop  }
0x5b: {  	[tilespmem:s17], [sflag:$0x1] =	stream.indirect_vreg.gather [hbm4b:s10+s29], $0x80, v3, vm0, $0xb8;
	[tilespmem:$0x18100] =	vst v63  }
0x5c: {  	_ = 	snop  }
0x5d: {  	[tilespmem:s18], [sflag:$0x1] =	stream.indirect_vreg.gather [hbm4b:s11+s29], $0x80, v3, vm0, $0xb8;
	[tilespmem:$0x18100] =	vst v63  }
0x5e: {  	v3 =	vld [tilespmem:$0x90];
	_ =	sdelay $0x4  }
0x5f: {  	v63 =	vshll.u32 v3, $0x3  }
0x60: {  	v3 =	vand.u32 $0x7, v3;
	v4 =	vand.u32 $0xFFFFFFC0, v63  }
0x61: {  	v3 =	vor.u32 v3, v4  }
0x62: {  	v4 =	vperm.xlane v3, v0;
	_ =	sdelay $0x1  }
0x63: {  	v4 =	vadd.s32 v1, v4;
	_ =	sdelay $0x4  }
0x64: {  	[tilespmem:s19], [sflag:$0x1] =	stream.indirect_vreg.gather [hbm4b:s3+s29], $0x80, v4, vm0, $0xb8;
	[tilespmem:$0x18100] =	vst v63  }
0x65: {  	v3 =	vperm.xlane v3, v2  }
0x66: {  	[tilespmem:s20], [sflag:$0x1] =	stream.indirect_vreg.gather [hbm4b:s9+s29], $0x80, v4, vm0, $0xb8;
	[tilespmem:$0x18100] =	vst v63  }
0x67: {  	v3 =	vadd.s32 v1, v3  }
0x68: {  	[tilespmem:s21], [sflag:$0x1] =	stream.indirect_vreg.gather [hbm4b:s10+s29], $0x80, v4, vm0, $0xb8;
	[tilespmem:$0x18100] =	vst v63  }
0x69: {  	_ = 	snop  }
0x6a: {  	[tilespmem:s22], [sflag:$0x1] =	stream.indirect_vreg.gather [hbm4b:s11+s29], $0x80, v4, vm0, $0xb8;
	[tilespmem:$0x18100] =	vst v63  }
0x6b: {  	_ = 	snop  }
0x6c: {  	[tilespmem:s23], [sflag:$0x1] =	stream.indirect_vreg.gather [hbm4b:s3+s29], $0x80, v3, vm0, $0xb8;
	[tilespmem:$0x18100] =	vst v63  }
0x6d: {  	_ = 	snop  }
0x6e: {  	[tilespmem:s24], [sflag:$0x1] =	stream.indirect_vreg.gather [hbm4b:s9+s29], $0x80, v3, vm0, $0xb8;
	[tilespmem:$0x18100] =	vst v63  }
0x6f: {  	_ = 	snop  }
0x70: {  	[tilespmem:s25], [sflag:$0x1] =	stream.indirect_vreg.gather [hbm4b:s10+s29], $0x80, v3, vm0, $0xb8;
	[tilespmem:$0x18100] =	vst v63  }
0x71: {  	_ = 	snop  }
0x72: {  	[tilespmem:s26], [sflag:$0x1] =	stream.indirect_vreg.gather [hbm4b:s11+s29], $0x80, v3, vm0, $0xb8;
	[tilespmem:$0x18100] =	vst v63  }
0x73: {  	_ =	swait.ge [sflag:s0], $0x8000  }
0x74: {  	s30 =	sshll.u32 s30, $0x7;
	[sflag:s0] =	ssyncset.done $0x0  }
0x75: {  	s16 =	sadd.s32 s5, s30;
	[sflag:s0] =	ssyncadd.s32 $0xFFFF8000  }
0x76: {  	[tilespmem:s28], [sflag:$0x2] =	stream.linear.gather [hbm4b:s16+s29], $0x8000, $0x38;
	[tilespmem:$0x18100] =	vst v63  }
0x77: {  	_ =	swait.ge [sflag:s13], $0x8000  }
0x78: {  	[sflag:s13] =	ssyncset.done $0x0  }
0x79: {  	p1 =	por p0, p0;
	s31 =	simm.s32 $0x0;
	[sflag:s13] =	ssyncadd.s32 $0xFFFF8000  }
.LBB2_3:
0x7a: {  	s1 =	sshll.u32 s31, $0xA;
	s2 =	sshll.u32 s31, $0x7  }
0x7b: {  	s1 =	sand.u32 $0x6000, s1;
	s2 =	sand.u32 $0x380, s2  }
0x7c: {  	s4 =	sor.u32 s1, s2;
	s2 =	sand.u32 $0x1C00, s29  }
0x7d: {  	s12 =	sand.u32 $0x70, s29;
	s1 =	sor.u32 s2, s4  }
0x7e: {  	s12 =	sor.u32 s12, s1  }
0x7f: {  	v3 =	vld [tilespmem:s12+$0x8100]  }
0x80: {  	v4 =	vld [tilespmem:s12+$0x100];
	_ =	sdelay $0x1  }
0x81: {  	v5 =	vld [tilespmem:s12+$0x10100];
	_ =	sdelay $0x2  }
0x82: {  	s1 =	simm.s32 $0x80;
	v3 =	vadd.f32 v3, v4  }
0x83: {  	s14 =	simm.s32 $0x10;
	s16 =	sand.u32 $0x1C00, s1  }
0x84: {  	s14 =	sand.u32 $0x70, s14;
	s2 =	simm.s32 $0x20;
	s16 =	sor.u32 s16, s4;
	v3 =	vadd.f32 v5, v3  }
.LBB2_4:
0x85: {  	p0 =	sne.s32 s2, $0x3F0;
	s14 =	sor.u32 s14, s16  }
0x86: {  	v4 =	vld [tilespmem:s14+$0x8100];
	[tilespmem:s12+$0x100] =	vst v3;
	s12 =	smov.u32 s14  }
0x87: {  	v3 =	vld [tilespmem:s12+$0x100];
	_ =	sdelay $0x1  }
0x88: {  	v5 =	vld [tilespmem:s12+$0x10100]  }
.Ltmp0:
0x89: {  	(pc) =	sbr.rel @p0 .LBB2_4-.Ltmp0, $4  }
0x8a: {  	_ = 	snop  }
0x8b: {  	s1 =	sadd.s32 $0x80, s1;
	v3 =	vadd.f32 v4, v3  }
0x8c: {  	s16 =	sand.u32 $0x1C00, s1  }
0x8d: {  	s14 =	sand.u32 $0x70, s2;
	s2 =	sadd.s32 $0x10, s2;
	s16 =	sor.u32 s16, s4;
	v3 =	vadd.f32 v5, v3  }
0x8e: {  	s1 =	sor.u32 s14, s16  }
0x8f: {  	v4 =	vld [tilespmem:s1+$0x8100];
	[tilespmem:s12+$0x100] =	vst v3  }
0x90: {  	v3 =	vld [tilespmem:s1+$0x100];
	_ =	sdelay $0x1  }
0x91: {  	v5 =	vld [tilespmem:s1+$0x10100]  }
0x92: {  	s31 =	sadd.s32 $0x1, s31  }
0x93: {  	p0 =	sne.s32 s31, $0x20  }
.Ltmp1:
0x94: {  	v3 =	vadd.f32 v4, v3;
	(pc) =	sbr.rel @p0 .LBB2_3-.Ltmp1, $3  }
0x95: {  	_ = 	snop  }
0x96: {  	v3 =	vadd.f32 v5, v3;
	_ =	sdelay $0x1  }
0x97: {  	[tilespmem:s1+$0x100] =	vst v3  }
0x98: {  	s1 =	rddreg [dreg:$0x1]  }
.Ltmp2:
0x99: {  	s2 =	simm.s32 $0x0;
	s1 =	sadd.s32 s1, s30;
	(pc) =	sbr.rel @p1 .LBB2_2-.Ltmp2, $4  }
0x9a: {  	[hbm4b:s1+s2] =	stream.linear.scatter [tilespmem:s15], [sflag:$0x2], $0x8000, $0x38;
	[tilespmem:$0x18100] =	vst v63  }
0x9b: {  	_ =	swait.ge [sflag:s13], $0x8000  }
0x9c: {  	[sflag:s13] =	ssyncset.done $0x0  }
0x9d: {  	p0 =	por $0x0, $0x0;
	s1 =	simm.s32 $0x20;
	[sflag:s13] =	ssyncadd.s32 $0xFFFF8000  }
0x9e: {  	s2 =	rddreg [dreg:$0x4]  }
0x9f: {  	s1 =	rddreg [dreg:$0x3];
	s2 =	sadd.s32 $0x1, s2  }
0xa0: {  	p0 =	sne.s32 s2, s1  }
.Ltmp3:
0xa1: {  	_ = 	snop;
	(pc) =	sbr.rel @p0 .LBB2_1-.Ltmp3, $1  }
0xa2: {  	_ =	sdelay $0x3  }
0xa3: {  	_ =	sfence.sel $0x180000  }
0xa4: {  	[bflag:$0x0] =	sbarrier.arrive $0xFFFF  }
0xa5: {  	_ =	strace $0x9000004A  }
0xa6: {  	s0 =	stileid.u32;
	[bflag:$0x2] =	sbarrier.arrive $0xFFFF  }
0xa7: {  	p0 =	sne.s32 s0, $0x0;
	s0 =	rddreg [dreg:$0x2]  }
0xa8: {  	s0 =	sadd.s32 @!p0 $0x100000, s0  }
0xa9: {  	[sflag:s0] =	ssyncadd.tile.s32 @!p0 $0x1;
	_ =	shalt  }
.Lfunc_end2:
_tile_overlayer_lowered:
.L_overlay_start_2:
0xaa: {  	(tag) =	ssettag $0x2  }
0xab: {  	s0 =	rddreg [dreg:$0x0];
	s2 =	stileid.u32  }
0xac: {  	s1 =	rddreg [dreg:$0x1];
	p0 =	sne.s32 s2, $0x0  }
0xad: {  	s3 =	rddreg [dreg:$0x2];
	[bflag:$0x3] =	sbarrier.arrive $0xFFFF;
	s2 =	simm.s32 @!p0 $0x1C02  }
0xae: {  	[timem:s3], [sflag:s2] =	dma.local @!p0 [hbm:s0], s1  }
0xaf: {  	s0 =	simm.s32 @!p0 $0x2  }
0xb0: {  	_ =	swait.ge @!p0 [sflag:s0], s1  }
0xb1: {  	s1 =	ssub.s32 @!p0 $0x0, s1;
	[sflag:s0] =	ssyncset.done @!p0 $0x0  }
0xb2: {  	[sflag:s0] =	ssyncadd.s32 @!p0 s1  }
0xb3: {  	[bflag:$0x3] =	sbarrier.arrive $0xFFFF  }
0xb4: {  	_ =	shalt  }

// kernel: kernel.7.cloned.1.call-start
scs
__scs_entry_jumppad:
0x0: {  	(pc) =	sbr.rel $0x88, $3  }
0x1: {  	(tag) =	ssettag $0x0;
	lr =	simm.s32 $0x1  }
0x2: {  	[smem:$0x3F99] =	sst lr;
	_ =	strace $0xD0000000  }
0x3: {  	_ = 	snop  }
0x4: {  	_ = 	snop  }
0x5: {  	_ = 	snop  }
0x6: {  	_ = 	snop  }
0x7: {  	_ = 	snop  }
__scs_overlays_trampoline_lowered:
0x8: {  	[smem:$0x3FA8] =	sst s0  }
0x9: {  	[smem:$0x3FA9] =	sst s1  }
0xa: {  	[smem:$0x3FAA] =	sst s2  }
0xb: {  	[smem:$0x3FAB] =	sst s3  }
0xc: {  	[smem:$0x3FAC] =	sst s4  }
0xd: {  	[smem:$0x3FAD] =	sst s5  }
0xe: {  	[smem:$0x3FAE] =	sst s6  }
0xf: {  	[smem:$0x3FAF] =	sst s7  }
0x10: {  	[smem:$0x3FB0] =	sst s8  }
0x11: {  	[smem:$0x3FB1] =	sst s9;
	s0 =	simm.s32 @!p0 $0x0  }
0x12: {  	s1 =	sld [smem:$0x3F97];
	s0 =	simm.s32 @p0 $0x1  }
0x13: {  	[smem:$0x3FB2] =	sst s0;
	s0 =	simm.s32 @!p1 $0x0  }
0x14: {  	s2 =	sld [smem:$0x3F96];
	s0 =	simm.s32 @p1 $0x1  }
0x15: {  	[smem:$0x3FB3] =	sst s0;
	s0 =	simm.s32 @!p2 $0x0  }
0x16: {  	s3 =	sld [smem:$0x3FDB];
	s0 =	simm.s32 @p2 $0x1  }
0x17: {  	s4 =	simm.s32 $0x1BF5;
	[smem:$0x3FB5] =	sst s0  }
0x18: {  	s0 =	sld [smem:$0x3F98];
	_ =	swait.ge [sflag:s4], $0x0  }
0x19: {  	s7 =	sld [smem:$0x3F99]  }
0x1a: {  	s8 =	sadd.s32 $0xFFFFE003, lr  }
0x1b: {  	s9 =	sadd.s32 $0xFFFFFEF7, lr;
	s5 =	simm.s32 $0xFFFFFFFF;
	p2 =	slt.u32 s8, $0xFFFFF086  }
0x1c: {  	p1 =	slt.u32 s9, $0xF7A;
	s5 =	simm.s32 @!p2 $0x0  }
0x1d: {  	s5 =	simm.s32 @p1 $0x1;
	p0 =	seq.s32 s7, s2  }
0x1e: {  	s7 =	smul.u32 @!p0 $0xF7A, s2;
	p2 =	seq.s32 @!p0 s5, $0x0  }
0x1f: {  	s9 =	smul.u32 $0xF7A, s1;
	s8 =	simm.s32 @!p0 $0x1BF5;
	p2 =	por !p2, p0  }
0x20: {  	[sflag:s8] =	ssyncset.s32 @!p0 $0xFFFFF086;
	s6 =	sadd.s32 @!p0 s3, s7;
	s7 =	simm.s32 @!p0 $0x108  }
0x21: {  	s3 =	sadd.s32 s3, s9;
	s6 =	sadd.s32 @!p0 $0x88, s6;
	s7 =	simm.s32 @p2 $0x1082  }
0x22: {  	[simem:s7], [sflag:s8] =	dma.local @!p0 [hbm:s6], $0xF7A  }
0x23: {  	s9 =	sor.u32 $0xD0000000, s2;
	s6 =	simm.s32 $0x108;
	_ =	swait.ge @!p0 [sflag:s8], $0x0  }
0x24: {  	s3 =	sadd.s32 $0x88, s3;
	s6 =	simm.s32 @!p1 $0x1082;
	[sflag:s4] =	ssyncset.s32 $0xFFFFF086  }
0x25: {  	[simem:s6], [sflag:s4] =	dma.local [hbm:s3], $0xF7A  }
0x26: {  	[smem:$0x3F99] =	sst s1;
	(tag) =	ssettag s2;
	_ =	strace s9  }
0x27: {  	s1 =	sld [smem:$0x3FA9]  }
0x28: {  	s2 =	sld [smem:$0x3FAA]  }
0x29: {  	s4 =	sld [smem:$0x3FAC]  }
0x2a: {  	p0 =	seq.s32 s5, $0x0;
	s5 =	sld [smem:$0x3FAD]  }
0x2b: {  	s6 =	sld [smem:$0x3FAE]  }
0x2c: {  	s7 =	sld [smem:$0x3FAF]  }
0x2d: {  	s3 =	simm.s32 $0x108;
	s8 =	sld [smem:$0x3FB0]  }
0x2e: {  	s3 =	simm.s32 @!p0 $0x1082;
	s9 =	sld [smem:$0x3FB1]  }
0x2f: {  	lr =	sadd.s32 s0, s3;
	s0 =	sld [smem:$0x3FA8]  }
0x30: {  	s3 =	sld [smem:$0x3FAB]  }
0x31: {  	[smem:$0x3FB4] =	sst s10  }
0x32: {  	s10 =	sld [smem:$0x3FB2];
	_ =	sdelay $0x3  }
0x33: {  	p0 =	seq.s32 s10, $0x1;
	s10 =	sld [smem:$0x3FB4];
	_ =	sdelay $0x3  }
0x34: {  	[smem:$0x3FB4] =	sst s10  }
0x35: {  	s10 =	sld [smem:$0x3FB3];
	_ =	sdelay $0x3  }
0x36: {  	p1 =	seq.s32 s10, $0x1;
	s10 =	sld [smem:$0x3FB4];
	_ =	sdelay $0x3  }
0x37: {  	[smem:$0x3FB4] =	sst s10  }
0x38: {  	s10 =	sld [smem:$0x3FB5]  }
0x39: {  	_ = 	snop;
	(pc) =	sbr.ind lr, $3  }
0x3a: {  	_ = 	snop  }
0x3b: {  	_ = 	snop  }
0x3c: {  	p2 =	seq.s32 s10, $0x1;
	s10 =	sld [smem:$0x3FB4]  }
0x3d: {  	_ =	shalt  }
0x3e: {  	_ =	shalt  }
0x3f: {  	_ =	shalt  }
0x40: {  	_ =	shalt  }
0x41: {  	_ =	shalt  }
0x42: {  	_ =	shalt  }
0x43: {  	_ =	shalt  }
0x44: {  	_ =	shalt  }
0x45: {  	_ =	shalt  }
0x46: {  	_ =	shalt  }
0x47: {  	_ =	shalt  }
0x48: {  	_ =	shalt  }
0x49: {  	_ =	shalt  }
0x4a: {  	_ =	shalt  }
0x4b: {  	_ =	shalt  }
0x4c: {  	_ =	shalt  }
0x4d: {  	_ =	shalt  }
0x4e: {  	_ =	shalt  }
0x4f: {  	_ =	shalt  }
0x50: {  	_ =	shalt  }
0x51: {  	_ =	shalt  }
0x52: {  	_ =	shalt  }
0x53: {  	_ =	shalt  }
0x54: {  	_ =	shalt  }
0x55: {  	_ =	shalt  }
0x56: {  	_ =	shalt  }
0x57: {  	_ =	shalt  }
0x58: {  	_ =	shalt  }
0x59: {  	_ =	shalt  }
0x5a: {  	_ =	shalt  }
0x5b: {  	_ =	shalt  }
0x5c: {  	_ =	shalt  }
0x5d: {  	_ =	shalt  }
0x5e: {  	_ =	shalt  }
0x5f: {  	_ =	shalt  }
0x60: {  	_ =	shalt  }
0x61: {  	_ =	shalt  }
0x62: {  	_ =	shalt  }
0x63: {  	_ =	shalt  }
0x64: {  	_ =	shalt  }
0x65: {  	_ =	shalt  }
0x66: {  	_ =	shalt  }
0x67: {  	_ =	shalt  }
0x68: {  	_ =	shalt  }
0x69: {  	_ =	shalt  }
0x6a: {  	_ =	shalt  }
0x6b: {  	_ =	shalt  }
0x6c: {  	_ =	shalt  }
0x6d: {  	_ =	shalt  }
0x6e: {  	_ =	shalt  }
0x6f: {  	_ =	shalt  }
0x70: {  	_ =	shalt  }
0x71: {  	_ =	shalt  }
0x72: {  	_ =	shalt  }
0x73: {  	_ =	shalt  }
0x74: {  	_ =	shalt  }
0x75: {  	_ =	shalt  }
0x76: {  	_ =	shalt  }
0x77: {  	_ =	shalt  }
0x78: {  	_ =	shalt  }
0x79: {  	_ =	shalt  }
0x7a: {  	_ =	shalt  }
0x7b: {  	_ =	shalt  }
0x7c: {  	_ =	shalt  }
0x7d: {  	_ =	shalt  }
0x7e: {  	_ =	shalt  }
0x7f: {  	_ =	shalt  }
0x80: {  	_ =	shalt  }
0x81: {  	_ =	shalt  }
0x82: {  	_ =	shalt  }
0x83: {  	_ =	shalt  }
0x84: {  	_ =	shalt  }
0x85: {  	_ =	shalt  }
0x86: {  	_ =	shalt  }
0x87: {  	_ =	shalt  }
.Lfunc_end0:
.L_simem_size_0:
called_computation_lowered:
.L_overlay_start_0:
0x88: {  	s2 =	sld [smem:$0x3FD9]  }
0x89: {  	s3 =	sld [smem:$0x3FFE];
	_ =	sdelay $0x1  }
0x8a: {  	s1 =	srdreg.scid  }
0x8b: {  	s0 =	sand.u32 $0x1, s1  }
0x8c: {  	s17 =	sshll.u32 s0, $0xA;
	s2 =	sadd.s32 s3, s2  }
0x8d: {  	s2 =	sadd.s32 s2, s17  }
0x8e: {  	[smem:$0x3FC0] =	sst s2  }
0x8f: {  	_ = 	snop  }
0x90: {  	s2 =	sld [smem:$0x3FD0];
	(tm) =	ssettm $0x1  }
0x91: {  	s18 =	sld [smem:$0x3FFB];
	_ =	sdelay $0x3  }
0x92: {  	_ =	strace s18  }
0x93: {  	s3 =	sld [smem:$0x3FFC];
	_ =	sdelay $0x3  }
0x94: {  	_ =	strace s3  }
0x95: {  	s3 =	sld [smem:$0x3FFD];
	_ =	sdelay $0x3  }
0x96: {  	_ =	strace s3  }
0x97: {  	_ =	strace $0x8FFFFFFF  }
0x98: {  	s19 =	sld [smem:$0x3FDB];
	_ =	sdelay $0x1  }
0x99: {  	s4 =	simm.s32 $_scs_section_size  }
0x9a: {  	s5 =	simm.s32 $_size__tile_overlayer_lowered;
	s6 =	simm.s32 $_tile_overlayer_lowered  }
0x9b: {  	s22 =	simm.s32 $0x1BFF;
	s21 =	sshll.u32 s6, $0x1;
	s3 =	sadd.s32 s4, s19  }
0x9c: {  	s7 =	simm.s32 $0x0;
	s20 =	sshll.u32 s5, $0x1;
	s5 =	sadd.s32 s21, s3  }
0x9d: {  	[timem:s7], [sflag:s22] =	dma.local [hbm:s5], s20  }
0x9e: {  	_ =	swait.ge [sflag:s22], s20  }
0x9f: {  	s4 =	ssub.s32 $0x0, s20;
	[sflag:s22] =	ssyncset.done $0x0  }
0xa0: {  	[sflag:s22] =	ssyncadd.s32 s4;
	_ =	sdelay $0x1  }
0xa1: {  	s23 =	simm.s32 $0x1B8B  }
0xa2: {  	_ =	swait.ge [sflag:s23], $0x1  }
0xa3: {  	[sflag:s23] =	ssyncset.done $0x0  }
0xa4: {  	s25 =	simm.s32 $0x1B8E;
	s24 =	sld [smem:$0x3FFE];
	[sflag:s23] =	ssyncadd.s32 $0xFFFFFFFF  }
0xa5: {  	s26 =	simm.s32 $execute0_lowered;
	[smem:$0x3FD2] =	sst s25  }
0xa6: {  	s5 =	sshll.u32 s26, $0x1;
	_ =	strace $0x80000046;
	[dreg:$0x1] =	wrdreg $0xFFFFFFFF  }
0xa7: {  	s28 =	simm.s32 $_size_execute0_lowered;
	s3 =	sadd.s32 s3, s5;
	[dreg:$0x0] =	wrdreg $0x0  }
0xa8: {  	s5 =	sshll.u32 s28, $0x1;
	[dreg:$0x2] =	wrdreg s3  }
0xa9: {  	[dreg:$0x3] =	wrdreg s5  }
0xaa: {  	[dreg:$0x4] =	wrdreg $0xC0  }
0xab: {  	_ =	task [dreg:s7], $0x5FFFF  }
0xac: {  	[dreg:$0x1] =	wrdreg $0xFFFFFFFF  }
0xad: {  	[dreg:$0x0] =	wrdreg $0x60  }
0xae: {  	[dreg:$0x2] =	wrdreg s24  }
0xaf: {  	[dreg:$0x3] =	wrdreg s2  }
0xb0: {  	[dreg:$0x4] =	wrdreg $0x9  }
0xb1: {  	_ =	task.clear_ibuf [dreg:s7], $0x5FFFF;
	_ =	strace $0x90000046  }
0xb2: {  	s29 =	simm.s32 $0x9;
	_ =	strace $0x80000048  }
0xb3: {  	_ =	swait.ge [sflag:s29], $0x1  }
0xb4: {  	[sflag:s29] =	ssyncadd.s32 $0xFFFFFFFF  }
0xb5: {  	_ =	strace $0x90000048  }
0xb6: {  	_ =	sfence  }
0xb7: {  	s30 =	sld [smem:$0x0];
	_ =	sdelay $0x2  }
0xb8: {  	s31 =	sshll.u32 s1, $0xD;
	s1 =	sshrl.u32 s1, $0x2  }
0xb9: {  	s3 =	sand.u32 $0x4000, s31;
	s1 =	sadd.s32 s1, s30  }
0xba: {  	s0 =	sor.u32 s3, s0;
	s1 =	sshll.u32 s1, $0x11  }
0xbb: {  	s0 =	sor.u32 s1, s0  }
0xbc: {  	s0 =	sadd.s32 $0x8F2B, s0  }
0xbd: {  	[sflag:s0] =	ssyncadd.remote.s32 $0x1  }
0xbe: {  	_ =	sfence.sel $0xFFFF  }
0xbf: {  	[dreg:$0x0] =	wrdreg $0xFFFFFFFF;
	(pc) =	sbr.abs _section_cstart, $3  }
0xc0: {  	[dreg:$0x1] =	wrdreg $0xFFFFFFFF  }
0xc1: {  	_ =	task.clear_ibuf [dreg:s7], $0x2FFFF;
	_ =	strace $0x9FFFFFFF  }
0xc2: {  	(tm) =	ssettm $0x7FFFFFFF  }
0xc3: {  	_ =	shalt  }
tec
execute0_lowered:
.L_overlay_start_1:
0x0: {  	(tag) =	ssettag $0x1  }
0x1: {  	s1 =	srdreg.scid  }
0x2: {  	s0 =	stileid.u32;
	s11 =	sand.u32 $0x1, s1  }
0x3: {  	s10 =	rddreg [dreg:$0x0];
	s4 =	sshll.u32 s0, $0x5;
	s5 =	sshll.u32 s11, $0x4  }
0x4: {  	s2 =	rddreg [dreg:$0x1];
	s3 =	simm.s32 $0x0;
	s4 =	sor.u32 s5, s4  }
0x5: {  	s6 =	simm.s32 $0x3;
	[smem:$0x7FF] =	sst s3;
	s4 =	sadd.s32 s10, s4  }
0x6: {  	s1 =	rddreg [dreg:$0x2];
	_ =	strace $0x80000047;
	s5 =	sadd.s32 $0x3600, s4  }
0x7: {  	[tilespmem:s3], [sflag:$0x3] =	stream.linear.gather [hbm4b:s5+s3], $0x80, $0x38;
	[tilespmem:$0x180] =	vst v63  }
0x8: {  	_ =	swait.ge [sflag:s6], $0x80  }
0x9: {  	[sflag:s6] =	ssyncset.done $0x0  }
0xa: {  	s7 =	simm.s32 $0x80;
	[sflag:s6] =	ssyncadd.s32 $0xFFFFFF80  }
0xb: {  	[tilespmem:s7], [sflag:$0x3] =	stream.linear.gather [hbm4b:s4+s3], $0x80, $0x38;
	[tilespmem:$0x180] =	vst v63  }
0xc: {  	_ =	swait.ge [sflag:s6], $0x80  }
0xd: {  	s9 =	simm.s32 $0x100;
	[sflag:s6] =	ssyncset.done $0x0  }
0xe: {  	s12 =	ssub.s32 $0x2, s11;
	s8 =	sadd.s32 $0x8000, s4;
	[sflag:s6] =	ssyncadd.s32 $0xFFFFFF80  }
0xf: {  	[tilespmem:s9], [sflag:$0x3] =	stream.linear.gather [hbm4b:s8+s3], $0x80, $0x38;
	[tilespmem:$0x180] =	vst v63  }
0x10: {  	s13 =	sshrl.u32 s12, $0x1;
	_ =	swait.ge [sflag:s6], $0x80  }
0x11: {  	s12 =	ssub.s32 s12, s13;
	[sflag:s6] =	ssyncset.done $0x0  }
0x12: {  	s13 =	smax.u32 s12, $0x1;
	[sflag:s6] =	ssyncadd.s32 $0xFFFFFF80  }
0x13: {  	[hbm4b:s2+s7] =	stream.indirect.scatter [tilespmem:s7], [sflag:$0x1], $0x1, s3, s7, $0xb8;
	[tilespmem:$0x180] =	vst v63  }
0x14: {  	s11 =	simm.s32 $0x1;
	s10 =	sadd.s32 $0x200, s10;
	p0 =	sne.s32 s13, $0x1  }
0x15: {  	[hbm4b:s10+s7] =	stream.indirect.scatter [tilespmem:s9], [sflag:$0x2], $0x1, s3, s7, $0xb8;
	[tilespmem:$0x180] =	vst v63  }
.Ltmp0:
0x16: {  	_ =	swait.ge [sflag:s11], $0x80;
	(pc) =	sbr.rel @!p0 .LBB2_2-.Ltmp0, $4  }
0x17: {  	[sflag:s11] =	ssyncset.done $0x0  }
0x18: {  	s12 =	simm.s32 $0x2;
	[sflag:s11] =	ssyncadd.s32 $0xFFFFFF80  }
0x19: {  	_ =	swait.ge [sflag:s12], $0x80  }
0x1a: {  	s13 =	sadd.s32 $0xFFFFFFFF, s13;
	[sflag:s12] =	ssyncset.done $0x0  }
.LBB2_1:
0x1b: {  	p0 =	sne.s32 s13, $0x1;
	s13 =	sadd.s32 $0xFFFFFFFF, s13;
	[sflag:s12] =	ssyncadd.s32 $0xFFFFFF80  }
0x1c: {  	[tilespmem:s3], [sflag:$0x3] =	stream.linear.gather [hbm4b:s5+s3], $0x80, $0x38;
	[tilespmem:$0x180] =	vst v63  }
0x1d: {  	_ =	swait.ge [sflag:s6], $0x80  }
0x1e: {  	[sflag:s6] =	ssyncset.done $0x0  }
0x1f: {  	[sflag:s6] =	ssyncadd.s32 $0xFFFFFF80  }
0x20: {  	[tilespmem:s7], [sflag:$0x3] =	stream.linear.gather [hbm4b:s4+s3], $0x80, $0x38;
	[tilespmem:$0x180] =	vst v63  }
0x21: {  	_ =	swait.ge [sflag:s6], $0x80  }
0x22: {  	[sflag:s6] =	ssyncset.done $0x0  }
0x23: {  	[sflag:s6] =	ssyncadd.s32 $0xFFFFFF80  }
0x24: {  	[tilespmem:s9], [sflag:$0x3] =	stream.linear.gather [hbm4b:s8+s3], $0x80, $0x38;
	[tilespmem:$0x180] =	vst v63  }
0x25: {  	_ =	swait.ge [sflag:s6], $0x80  }
0x26: {  	[sflag:s6] =	ssyncset.done $0x0  }
0x27: {  	[sflag:s6] =	ssyncadd.s32 $0xFFFFFF80  }
0x28: {  	[hbm4b:s2+s7] =	stream.indirect.scatter [tilespmem:s7], [sflag:$0x1], $0x1, s3, s7, $0xb8;
	[tilespmem:$0x180] =	vst v63  }
0x29: {  	_ = 	snop  }
0x2a: {  	[hbm4b:s10+s7] =	stream.indirect.scatter [tilespmem:s9], [sflag:$0x2], $0x1, s3, s7, $0xb8;
	[tilespmem:$0x180] =	vst v63  }
.Ltmp1:
0x2b: {  	_ =	swait.ge [sflag:s11], $0x80;
	(pc) =	sbr.rel @p0 .LBB2_1-.Ltmp1, $4  }
0x2c: {  	[sflag:s11] =	ssyncset.done $0x0  }
0x2d: {  	[sflag:s11] =	ssyncadd.s32 $0xFFFFFF80  }
0x2e: {  	_ =	swait.ge [sflag:s12], $0x80  }
0x2f: {  	[sflag:s12] =	ssyncset.done $0x0  }
.LBB2_2:
0x30: {  	[sflag:s12] =	ssyncadd.s32 $0xFFFFFF80  }
0x31: {  	_ =	sfence.sel $0x180000  }
0x32: {  	[bflag:$0x0] =	sbarrier.arrive $0xFFFF  }
0x33: {  	p0 =	sne.s32 s0, $0x0;
	_ =	strace $0x90000047  }
0x34: {  	s0 =	sadd.s32 @!p0 $0x100000, s1;
	[bflag:$0x2] =	sbarrier.arrive $0xFFFF  }
0x35: {  	[sflag:s0] =	ssyncadd.tile.s32 @!p0 $0x1;
	_ =	shalt  }
.Lfunc_end2:
_tile_overlayer_lowered:
.L_overlay_start_2:
0x36: {  	(tag) =	ssettag $0x2  }
0x37: {  	s0 =	rddreg [dreg:$0x0];
	s2 =	stileid.u32  }
0x38: {  	s1 =	rddreg [dreg:$0x1];
	p0 =	sne.s32 s2, $0x0  }
0x39: {  	s3 =	rddreg [dreg:$0x2];
	[bflag:$0x3] =	sbarrier.arrive $0xFFFF;
	s2 =	simm.s32 @!p0 $0x1C03  }
0x3a: {  	[timem:s3], [sflag:s2] =	dma.local @!p0 [hbm:s0], s1  }
0x3b: {  	s0 =	simm.s32 @!p0 $0x3  }
0x3c: {  	_ =	swait.ge @!p0 [sflag:s0], s1  }
0x3d: {  	s1 =	ssub.s32 @!p0 $0x0, s1;
	[sflag:s0] =	ssyncset.done @!p0 $0x0  }
0x3e: {  	[sflag:s0] =	ssyncadd.s32 @!p0 s1  }
0x3f: {  	[bflag:$0x3] =	sbarrier.arrive $0xFFFF  }
0x40: {  	_ =	shalt  }

</sc_bundles>
